<compile_context>
chip_gen: v7x
topology: tpu7x:2x2x1
jax: 0.10.2.dev20260603
libtpu: 0.0.44.dev20260713+nightly
codegen_flags: <defaults>
</compile_context>

<pallas_src>
import dataclasses
import functools

import jax
import jax.numpy as jnp
from jax import lax
from jax.experimental import pallas as pl
from jax.experimental.pallas import tpu as pltpu
from jax.experimental.pallas import tpu_sc as plsc

N = 10000
E = 160000
D_IN = 768
D_HID = 128
D_OUT = 128

NC = 2
NS = 16
NW = NC * NS
L = 16

CHUNK = 64
NCHUNK = 80
EPW = CHUNK * NCHUNK
E_PAD = EPW * NW
DEG_ROWS = 10240
AGG_ROWS = 10240
ROWB = 1024
NBUF = 3

def _sc_degree_body(dst_hbm, deg_hbm, idx_v, deg_v):
    wid = lax.axis_index("s") * NC + lax.axis_index("c")
    zeros16 = jnp.zeros((L,), jnp.float32)
    ones16 = jnp.ones((L,), jnp.float32)

    @pl.loop(0, DEG_ROWS, step=L)
    def _(i):
        deg_v[pl.ds(i, L)] = zeros16

    pltpu.sync_copy(dst_hbm.at[wid], idx_v)

    @pl.loop(0, EPW, step=L)
    def _(g):
        idx16 = idx_v[pl.ds(g, L)]
        plsc.addupdate_scatter(deg_v, [idx16], ones16)

    pltpu.sync_copy(deg_v, deg_hbm.at[wid])


def _sc_scatter_body(hp_hbm, src_hbm, dst_hbm, out0_hbm, out1_hbm,
                     srcv, dstv, rows_all, gsem, ssem, agg_sh):
    rows = [rows_all.at[pl.ds(b * CHUNK, CHUNK)] for b in range(NBUF)]
    rows0 = rows[0]
    cid = lax.axis_index("c")
    sid = lax.axis_index("s")
    wid = sid * NC + cid

    pltpu.sync_copy(src_hbm.at[wid], srcv)
    pltpu.sync_copy(dst_hbm.at[wid], dstv)

    zeros16 = jnp.zeros((L,), jnp.float32)

    @pl.loop(0, CHUNK)
    def _(i):
        @pl.loop(0, D_HID, step=L)
        def _(k):
            rows_all[i, pl.ds(k, L)] = zeros16

    stripe = AGG_ROWS // NS

    @pl.loop(0, stripe // CHUNK)
    def _(i):
        pltpu.sync_copy(rows0, agg_sh.at[pl.ds(sid * stripe + i * CHUNK, CHUNK)])

    plsc.subcore_barrier()

    STEADY = ((NCHUNK - NBUF) // NBUF) * NBUF

    for b in range(NBUF):
        pltpu.async_copy(hp_hbm.at[srcv.at[b]], rows[b], gsem[b])

    @pl.loop(0, STEADY, step=NBUF)
    def _(j):
        for b in range(NBUF):
            pltpu.make_async_copy(hp_hbm.at[srcv.at[j + b]], rows[b],
                                  gsem[b]).wait()
            pltpu.sync_copy(rows[b], agg_sh.at[dstv.at[j + b]], add=True)
            pltpu.async_copy(hp_hbm.at[srcv.at[j + NBUF + b]], rows[b],
                             gsem[b])

    for k in range(STEADY, STEADY + NBUF):
        b = k - STEADY
        pltpu.make_async_copy(hp_hbm.at[srcv.at[k]], rows[b], gsem[b]).wait()
        pltpu.sync_copy(rows[b], agg_sh.at[dstv.at[k]], add=True)
    for k in range(STEADY + NBUF, NCHUNK):
        b = k % NBUF
        pltpu.async_copy(hp_hbm.at[srcv.at[k]], rows[b], gsem[b]).wait()
        pltpu.sync_copy(rows[b], agg_sh.at[dstv.at[k]], add=True)

    plsc.subcore_barrier()

    rows_out = 624
    tail = N - rows_out * NS

    @pl.when(cid == 0)
    def _():
        pltpu.sync_copy(agg_sh.at[pl.ds(sid * rows_out, rows_out)],
                        out0_hbm.at[pl.ds(sid * rows_out, rows_out)])

        @pl.when(sid == NS - 1)
        def _():
            pltpu.sync_copy(agg_sh.at[pl.ds(rows_out * NS, tail)],
                            out0_hbm.at[pl.ds(rows_out * NS, tail)])

    @pl.when(cid == 1)
    def _():
        pltpu.sync_copy(agg_sh.at[pl.ds(sid * rows_out, rows_out)],
                        out1_hbm.at[pl.ds(sid * rows_out, rows_out)])

        @pl.when(sid == NS - 1)
        def _():
            pltpu.sync_copy(agg_sh.at[pl.ds(rows_out * NS, tail)],
                            out1_hbm.at[pl.ds(rows_out * NS, tail)])


@functools.lru_cache(maxsize=None)
def _sc_kernels():
    mesh = plsc.VectorSubcoreMesh(
        core_axis_name="c", subcore_axis_name="s",
        num_cores=NC, num_subcores=NS)
    cp = pltpu.CompilerParams()
    if "needs_layout_passes" in pltpu.CompilerParams.__dataclass_fields__:
        cp = dataclasses.replace(cp, needs_layout_passes=False)
    sc_degree = pl.kernel(
        _sc_degree_body,
        out_type=jax.ShapeDtypeStruct((NW, DEG_ROWS), jnp.float32),
        mesh=mesh,
        scratch_types=[
            pltpu.VMEM((EPW,), jnp.int32),
            pltpu.VMEM((DEG_ROWS,), jnp.float32),
        ],
        compiler_params=cp,
    )
    sc_scatter = pl.kernel(
        _sc_scatter_body,
        out_type=[
            jax.ShapeDtypeStruct((N, D_HID), jnp.float32),
            jax.ShapeDtypeStruct((N, D_HID), jnp.float32),
        ],
        mesh=mesh,
        scratch_types=[
            pltpu.VMEM((NCHUNK, CHUNK), jnp.int32),
            pltpu.VMEM((NCHUNK, CHUNK), jnp.int32),
            pltpu.VMEM((NBUF * CHUNK, D_HID), jnp.float32),
            [pltpu.SemaphoreType.DMA for _ in range(NBUF)],
            [pltpu.SemaphoreType.DMA for _ in range(NBUF)],
            pltpu.VMEM_SHARED((AGG_ROWS, D_HID), jnp.float32),
        ],
        compiler_params=cp,
    )
    return sc_degree, sc_scatter


def _mm1_body(x_ref, w1_ref, deg_ref, hp_ref):
    deg = jnp.sum(deg_ref[...], axis=0) + 1.0
    dinv = lax.rsqrt(deg)
    h = jnp.dot(x_ref[...], w1_ref[...], preferred_element_type=jnp.float32)
    hp_ref[...] = h * dinv[:, None]


def _mm1(x, w1, deg_parts):
    return pl.pallas_call(
        _mm1_body,
        grid=(pl.cdiv(N, ROWB),),
        in_specs=[
            pl.BlockSpec((ROWB, D_IN), lambda i: (i, 0)),
            pl.BlockSpec((D_IN, D_HID), lambda i: (0, 0)),
            pl.BlockSpec((NW, ROWB), lambda i: (0, i)),
        ],
        out_specs=pl.BlockSpec((ROWB, D_HID), lambda i: (i, 0)),
        out_shape=jax.ShapeDtypeStruct((N, D_HID), jnp.float32),
    )(x, w1, deg_parts)


def _epi_body(a0_ref, a1_ref, hp_ref, deg_ref, w2_ref, b1_ref, b2_ref, out_ref):
    deg = jnp.sum(deg_ref[...], axis=0) + 1.0
    dinv = lax.rsqrt(deg)
    z = (a0_ref[...] + a1_ref[...] + hp_ref[...]) * dinv[:, None] + b1_ref[...]
    a = jnp.maximum(z, 0.0)
    o = jnp.dot(a, w2_ref[...], preferred_element_type=jnp.float32) + b2_ref[...]
    m = jnp.max(o, axis=1, keepdims=True)
    lse = jnp.log(jnp.sum(jnp.exp(o - m), axis=1, keepdims=True)) + m
    out_ref[...] = o - lse


def _epilogue(a0, a1, hp, deg_parts, w2, b1, b2):
    return pl.pallas_call(
        _epi_body,
        grid=(pl.cdiv(N, ROWB),),
        in_specs=[
            pl.BlockSpec((ROWB, D_HID), lambda i: (i, 0)),
            pl.BlockSpec((ROWB, D_HID), lambda i: (i, 0)),
            pl.BlockSpec((ROWB, D_HID), lambda i: (i, 0)),
            pl.BlockSpec((NW, ROWB), lambda i: (0, i)),
            pl.BlockSpec((D_HID, D_OUT), lambda i: (0, 0)),
            pl.BlockSpec((1, D_HID), lambda i: (0, 0)),
            pl.BlockSpec((1, D_OUT), lambda i: (0, 0)),
        ],
        out_specs=pl.BlockSpec((ROWB, D_OUT), lambda i: (i, 0)),
        out_shape=jax.ShapeDtypeStruct((N, D_OUT), jnp.float32),
    )(a0, a1, hp, deg_parts, w2, b1, b2)


def kernel(x, edge_index, W1, b1, W2, b2):
    src = edge_index[0]
    dst = edge_index[1]
    pad = E_PAD - E
    srcp = jnp.concatenate(
        [src, jnp.zeros((pad,), jnp.int32)]).reshape(NW, NCHUNK, CHUNK)
    dstp = jnp.concatenate(
        [dst, jnp.full((pad,), N, jnp.int32)]).reshape(NW, NCHUNK, CHUNK)

    sc_degree, sc_scatter = _sc_kernels()
    deg_parts = sc_degree(dstp.reshape(NW, EPW))
    hp = _mm1(x, W1, deg_parts)
    agg0, agg1 = sc_scatter(hp, srcp, dstp)
    return _epilogue(agg0, agg1, hp, deg_parts, W2,
                     b1.reshape(1, D_HID), b2.reshape(1, D_OUT))

# --- scband reference (transcript-rebuilt; emitter-appended) ---
"""Pipeline reference for scband-dumb-gnn-44813688766467 (READ-ONLY COPY).

The authoritative reference and input builder live on the scoring server;
editing this copy changes nothing except your own understanding.
"""

import jax, jax.numpy as jnp
import numpy as np

N_NODES = 10000
N_EDGES = 160000
D_IN = 768
D_HID = 128
D_OUT = 128


def setup_inputs(seed: int = 0) -> dict:
    key = jax.random.key(seed)
    k1, k2, k3, k4, k5, k6 = jax.random.split(key, 6)
    x = jax.random.normal(k1, (N_NODES, D_IN), dtype=jnp.float32)
    edge_index = jax.random.randint(k2, (2, N_EDGES), 0, N_NODES, dtype=jnp.int32)
    W1 = jax.random.normal(k3, (D_IN, D_HID), dtype=jnp.float32) * (1.0 / np.sqrt(D_IN))
    b1 = jnp.zeros((D_HID,), dtype=jnp.float32)
    W2 = jax.random.normal(k4, (D_HID, D_OUT), dtype=jnp.float32) * (1.0 / np.sqrt(D_HID))
    b2 = jnp.zeros((D_OUT,), dtype=jnp.float32)
    return {"x": x, "edge_index": edge_index, "W1": W1, "b1": b1, "W2": W2, "b2": b2}


def reference(x, edge_index, W1, b1, W2, b2):
    N = x.shape[0]
    # GCNConv: linear transform first
    h = x @ W1
    # add self-loops
    loops = jnp.arange(N, dtype=edge_index.dtype)
    ei = jnp.concatenate([edge_index, jnp.stack([loops, loops], axis=0)], axis=1)
    src, dst = ei[0], ei[1]
    # symmetric normalization D^{-1/2} A D^{-1/2}
    deg = jnp.zeros((N,), dtype=x.dtype).at[dst].add(1.0)
    dinv = jax.lax.rsqrt(deg)  # deg >= 1 because of self-loops
    norm = dinv[src] * dinv[dst]
    msg = h[src] * norm[:, None]
    agg = jnp.zeros((N, h.shape[1]), dtype=x.dtype).at[dst].add(msg)
    agg = agg + b1
    h = jax.nn.relu(agg)
    # dropout(p=0.5) is identity at inference
    out = h @ W2 + b2
    return jax.nn.log_softmax(out, axis=-1)

if __name__ == "__main__":
    import jax
    _d = setup_inputs()
    print(jax.jit(kernel)(*tuple(_d.values())))

</pallas_src>

<mosaic_0001>
#map = affine_map<(d0, d1) -> (0, 0)>
#map1 = affine_map<(d0, d1) -> (0, 0, 0)>
module attributes {stable_mosaic.version = 14 : i64} {
  func.func @_sc_scatter_body(%arg0: i32, %arg1: i32, %arg2: memref<10000x128xf32, #tpu.memory_space<hbm>>, %arg3: memref<32x80x64xi32, #tpu.memory_space<hbm>>, %arg4: memref<32x80x64xi32, #tpu.memory_space<hbm>>, %arg5: memref<10000x128xf32, #tpu.memory_space<hbm>>, %arg6: memref<10000x128xf32, #tpu.memory_space<hbm>>, %arg7: memref<80x64xi32, #tpu.memory_space<vmem>>, %arg8: memref<80x64xi32, #tpu.memory_space<vmem>>, %arg9: memref<192x128xf32, #tpu.memory_space<vmem>>, %arg10: memref<!tpu.dma_semaphore, #tpu.memory_space<semaphore_mem>>, %arg11: memref<!tpu.dma_semaphore, #tpu.memory_space<semaphore_mem>>, %arg12: memref<!tpu.dma_semaphore, #tpu.memory_space<semaphore_mem>>, %arg13: memref<!tpu.dma_semaphore, #tpu.memory_space<semaphore_mem>>, %arg14: memref<!tpu.dma_semaphore, #tpu.memory_space<semaphore_mem>>, %arg15: memref<!tpu.dma_semaphore, #tpu.memory_space<semaphore_mem>>, %arg16: memref<10240x128xf32, #tpu.memory_space<vmem_shared>>) attributes {dimension_semantics = [#tpu.dimension_semantics<core_parallel>, #tpu.dimension_semantics<subcore_parallel>], iteration_bounds = array<i64: 2, 16>, scalar_prefetch = 0 : i64, scratch_operands = 10 : i64, tpu.core_type = #tpu.core_type<sc_vector_subcore>, window_params = [{transform_indices = #map}, {transform_indices = #map1}, {transform_indices = #map1}, {transform_indices = #map}, {transform_indices = #map}]} {
    %mul3A = arith.constant 2 : i32
    %mul3A_0 = arith.muli %arg1, %mul3A : i32
    %add3A = arith.addi %mul3A_0, %arg0 : i32
    "tpu.region"() ({
      %run_scoped3A_126 = tpu.sem_alloc : memref<!tpu.dma_semaphore, #tpu.memory_space<semaphore_mem>>
      %dma_start3A_127 = arith.constant 0 : i32
      %dma_start3A_128 = arith.constant 0 : i32
      %dma_start3A_129 = tpu.memref_slice %arg3[%add3A, %dma_start3A_127, %dma_start3A_128] : memref<32x80x64xi32, #tpu.memory_space<hbm>> -> memref<1x80x64xi32, #tpu.memory_space<hbm>>
      %dma_start3A_130 = tpu.memref_squeeze %dma_start3A_129 : memref<1x80x64xi32, #tpu.memory_space<hbm>> -> memref<80x64xi32, #tpu.memory_space<hbm>>
      %dma_start3A_131 = arith.constant 0 : i32
      %dma_start3A_132 = arith.constant 0 : i32
      %dma_start3A_133 = tpu.memref_slice %arg3[%add3A, %dma_start3A_131, %dma_start3A_132] : memref<32x80x64xi32, #tpu.memory_space<hbm>> -> memref<1x80x64xi32, #tpu.memory_space<hbm>>
      %dma_start3A_134 = tpu.memref_squeeze %dma_start3A_133 : memref<1x80x64xi32, #tpu.memory_space<hbm>> -> memref<80x64xi32, #tpu.memory_space<hbm>>
      tpu.enqueue_dma source(%dma_start3A_134 : memref<80x64xi32, #tpu.memory_space<hbm>>) target(%arg7 : memref<80x64xi32, #tpu.memory_space<vmem>>) target_semaphore(%run_scoped3A_126 : memref<!tpu.dma_semaphore, #tpu.memory_space<semaphore_mem>>)
      %dma_wait3A_135 = arith.constant 0 : i32
      %dma_wait3A_136 = arith.constant 0 : i32
      %dma_wait3A_137 = tpu.memref_slice %arg3[%add3A, %dma_wait3A_135, %dma_wait3A_136] : memref<32x80x64xi32, #tpu.memory_space<hbm>> -> memref<1x80x64xi32, #tpu.memory_space<hbm>>
      %dma_wait3A_138 = tpu.memref_squeeze %dma_wait3A_137 : memref<1x80x64xi32, #tpu.memory_space<hbm>> -> memref<80x64xi32, #tpu.memory_space<hbm>>
      %dma_wait3A_139 = arith.constant 0 : i32
      %dma_wait3A_140 = arith.constant 0 : i32
      %dma_wait3A_141 = tpu.memref_slice %arg3[%add3A, %dma_wait3A_139, %dma_wait3A_140] : memref<32x80x64xi32, #tpu.memory_space<hbm>> -> memref<1x80x64xi32, #tpu.memory_space<hbm>>
      %dma_wait3A_142 = tpu.memref_squeeze %dma_wait3A_141 : memref<1x80x64xi32, #tpu.memory_space<hbm>> -> memref<80x64xi32, #tpu.memory_space<hbm>>
      tpu.wait_dma2 semaphore(%run_scoped3A_126 : memref<!tpu.dma_semaphore, #tpu.memory_space<semaphore_mem>>) src(%dma_wait3A_142 : memref<80x64xi32, #tpu.memory_space<hbm>>) dst(%arg7 : memref<80x64xi32, #tpu.memory_space<vmem>>)
      tpu.yield
    }) : () -> ()
    "tpu.region"() ({
      %run_scoped3A_126 = tpu.sem_alloc : memref<!tpu.dma_semaphore, #tpu.memory_space<semaphore_mem>>
      %dma_start3A_127 = arith.constant 0 : i32
      %dma_start3A_128 = arith.constant 0 : i32
      %dma_start3A_129 = tpu.memref_slice %arg4[%add3A, %dma_start3A_127, %dma_start3A_128] : memref<32x80x64xi32, #tpu.memory_space<hbm>> -> memref<1x80x64xi32, #tpu.memory_space<hbm>>
      %dma_start3A_130 = tpu.memref_squeeze %dma_start3A_129 : memref<1x80x64xi32, #tpu.memory_space<hbm>> -> memref<80x64xi32, #tpu.memory_space<hbm>>
      %dma_start3A_131 = arith.constant 0 : i32
      %dma_start3A_132 = arith.constant 0 : i32
      %dma_start3A_133 = tpu.memref_slice %arg4[%add3A, %dma_start3A_131, %dma_start3A_132] : memref<32x80x64xi32, #tpu.memory_space<hbm>> -> memref<1x80x64xi32, #tpu.memory_space<hbm>>
      %dma_start3A_134 = tpu.memref_squeeze %dma_start3A_133 : memref<1x80x64xi32, #tpu.memory_space<hbm>> -> memref<80x64xi32, #tpu.memory_space<hbm>>
      tpu.enqueue_dma source(%dma_start3A_134 : memref<80x64xi32, #tpu.memory_space<hbm>>) target(%arg8 : memref<80x64xi32, #tpu.memory_space<vmem>>) target_semaphore(%run_scoped3A_126 : memref<!tpu.dma_semaphore, #tpu.memory_space<semaphore_mem>>)
      %dma_wait3A_135 = arith.constant 0 : i32
      %dma_wait3A_136 = arith.constant 0 : i32
      %dma_wait3A_137 = tpu.memref_slice %arg4[%add3A, %dma_wait3A_135, %dma_wait3A_136] : memref<32x80x64xi32, #tpu.memory_space<hbm>> -> memref<1x80x64xi32, #tpu.memory_space<hbm>>
      %dma_wait3A_138 = tpu.memref_squeeze %dma_wait3A_137 : memref<1x80x64xi32, #tpu.memory_space<hbm>> -> memref<80x64xi32, #tpu.memory_space<hbm>>
      %dma_wait3A_139 = arith.constant 0 : i32
      %dma_wait3A_140 = arith.constant 0 : i32
      %dma_wait3A_141 = tpu.memref_slice %arg4[%add3A, %dma_wait3A_139, %dma_wait3A_140] : memref<32x80x64xi32, #tpu.memory_space<hbm>> -> memref<1x80x64xi32, #tpu.memory_space<hbm>>
      %dma_wait3A_142 = tpu.memref_squeeze %dma_wait3A_141 : memref<1x80x64xi32, #tpu.memory_space<hbm>> -> memref<80x64xi32, #tpu.memory_space<hbm>>
      tpu.wait_dma2 semaphore(%run_scoped3A_126 : memref<!tpu.dma_semaphore, #tpu.memory_space<semaphore_mem>>) src(%dma_wait3A_142 : memref<80x64xi32, #tpu.memory_space<hbm>>) dst(%arg8 : memref<80x64xi32, #tpu.memory_space<vmem>>)
      tpu.yield
    }) : () -> ()
    %broadcast_in_dim3A = arith.constant 0.000000e+00 : f32
    %broadcast_in_dim3A_1 = vector.broadcast %broadcast_in_dim3A : f32 to vector<16xf32>
    %scan3A = arith.constant 0 : i32
    %scan3A_2 = arith.constant 64 : i32
    %scan3A_3 = arith.addi %scan3A, %scan3A_2 : i32
    %scan3A_4 = arith.constant 1 : i32
    scf.for %scan3A_126 = %scan3A to %scan3A_3 step %scan3A_4  : i32 {
      %mul3A_127 = arith.constant 1 : i32
      %mul3A_128 = arith.muli %scan3A_126, %mul3A_127 : i32
      %add3A_129 = arith.constant 0 : i32
      %add3A_130 = arith.addi %add3A_129, %mul3A_128 : i32
      %scan3A_131 = arith.constant 0 : i32
      %scan3A_132 = arith.constant 8 : i32
      %scan3A_133 = arith.addi %scan3A_131, %scan3A_132 : i32
      %scan3A_134 = arith.constant 1 : i32
      scf.for %scan3A_136 = %scan3A_131 to %scan3A_133 step %scan3A_134  : i32 {
        %mul3A_137 = arith.constant 16 : i32
        %mul3A_138 = arith.muli %scan3A_136, %mul3A_137 : i32
        %add3A_139 = arith.constant 0 : i32
        %add3A_140 = arith.addi %add3A_139, %mul3A_138 : i32
        %swap3A = arith.index_cast %add3A_130 : i32 to index
        %swap3A_141 = arith.index_cast %add3A_140 : i32 to index
        %swap3A_142 = tpu.vector_load %arg9[%swap3A, %swap3A_141] {strides = array<i32>} : memref<192x128xf32, #tpu.memory_space<vmem>>, vector<16xf32>,
        tpu.vector_store %arg9[%swap3A, %swap3A_141], %broadcast_in_dim3A_1 {strides = array<i32>} : memref<192x128xf32, #tpu.memory_space<vmem>>, vector<16xf32>,
      }
      %scan3A_135 = arith.constant 8 : i32
    }
    %scan3A_5 = arith.constant 64 : i32
    %scan3A_6 = arith.constant 0 : i32
    %scan3A_7 = arith.constant 10 : i32
    %scan3A_8 = arith.addi %scan3A_6, %scan3A_7 : i32
    %scan3A_9 = arith.constant 1 : i32
    scf.for %scan3A_126 = %scan3A_6 to %scan3A_8 step %scan3A_9  : i32 {
      %mul3A_127 = arith.constant 1 : i32
      %mul3A_128 = arith.muli %scan3A_126, %mul3A_127 : i32
      %add3A_129 = arith.constant 0 : i32
      %add3A_130 = arith.addi %add3A_129, %mul3A_128 : i32
      %mul3A_131 = arith.constant 640 : i32
      %mul3A_132 = arith.muli %arg1, %mul3A_131 : i32
      %mul3A_133 = arith.constant 64 : i32
      %mul3A_134 = arith.muli %add3A_130, %mul3A_133 : i32
      %add3A_135 = arith.addi %mul3A_132, %mul3A_134 : i32
      "tpu.region"() ({
        %run_scoped3A_136 = tpu.sem_alloc : memref<!tpu.dma_semaphore, #tpu.memory_space<semaphore_mem>>
        %dma_start3A_137 = arith.constant 0 : i32
        %dma_start3A_138 = arith.constant 0 : i32
        %dma_start3A_139 = tpu.memref_slice %arg9[%dma_start3A_137, %dma_start3A_138] : memref<192x128xf32, #tpu.memory_space<vmem>> -> memref<64x128xf32, #tpu.memory_space<vmem>>
        %dma_start3A_140 = arith.constant 0 : i32
        %dma_start3A_141 = tpu.memref_slice %arg16[%add3A_135, %dma_start3A_140] : memref<10240x128xf32, #tpu.memory_space<vmem_shared>> -> memref<64x128xf32, #tpu.memory_space<vmem_shared>>
        %dma_start3A_142 = arith.constant 0 : i32
        %dma_start3A_143 = tpu.memref_slice %arg16[%add3A_135, %dma_start3A_142] : memref<10240x128xf32, #tpu.memory_space<vmem_shared>> -> memref<64x128xf32, #tpu.memory_space<vmem_shared>>
        %dma_start3A_144 = arith.constant 0 : i32
        %dma_start3A_145 = arith.constant 0 : i32
        %dma_start3A_146 = tpu.memref_slice %arg9[%dma_start3A_144, %dma_start3A_145] : memref<192x128xf32, #tpu.memory_space<vmem>> -> memref<64x128xf32, #tpu.memory_space<vmem>>
        tpu.enqueue_dma source(%dma_start3A_146 : memref<64x128xf32, #tpu.memory_space<vmem>>) target(%dma_start3A_143 : memref<64x128xf32, #tpu.memory_space<vmem_shared>>) target_semaphore(%run_scoped3A_136 : memref<!tpu.dma_semaphore, #tpu.memory_space<semaphore_mem>>)
        %dma_wait3A_147 = arith.constant 0 : i32
        %dma_wait3A_148 = arith.constant 0 : i32
        %dma_wait3A_149 = tpu.memref_slice %arg9[%dma_wait3A_147, %dma_wait3A_148] : memref<192x128xf32, #tpu.memory_space<vmem>> -> memref<64x128xf32, #tpu.memory_space<vmem>>
        %dma_wait3A_150 = arith.constant 0 : i32
        %dma_wait3A_151 = tpu.memref_slice %arg16[%add3A_135, %dma_wait3A_150] : memref<10240x128xf32, #tpu.memory_space<vmem_shared>> -> memref<64x128xf32, #tpu.memory_space<vmem_shared>>
        %dma_wait3A_152 = arith.constant 0 : i32
        %dma_wait3A_153 = tpu.memref_slice %arg16[%add3A_135, %dma_wait3A_152] : memref<10240x128xf32, #tpu.memory_space<vmem_shared>> -> memref<64x128xf32, #tpu.memory_space<vmem_shared>>
        %dma_wait3A_154 = arith.constant 0 : i32
        %dma_wait3A_155 = arith.constant 0 : i32
        %dma_wait3A_156 = tpu.memref_slice %arg9[%dma_wait3A_154, %dma_wait3A_155] : memref<192x128xf32, #tpu.memory_space<vmem>> -> memref<64x128xf32, #tpu.memory_space<vmem>>
        tpu.wait_dma2 semaphore(%run_scoped3A_136 : memref<!tpu.dma_semaphore, #tpu.memory_space<semaphore_mem>>) src(%dma_wait3A_156 : memref<64x128xf32, #tpu.memory_space<vmem>>) dst(%dma_wait3A_153 : memref<64x128xf32, #tpu.memory_space<vmem_shared>>)
        tpu.yield
      }) : () -> ()
    }
    %scan3A_10 = arith.constant 10 : i32
    %barrier3A = arith.constant 0 : index
    tpu.barrier barrier_id(%barrier3A)
    %dma_start3A = arith.constant 0 : i32
    %dma_start3A_11 = arith.constant 0 : i32
    %dma_start3A_12 = arith.constant 0 : i32
    %dma_start3A_13 = tpu.memref_slice %arg9[%dma_start3A_11, %dma_start3A_12] : memref<192x128xf32, #tpu.memory_space<vmem>> -> memref<64x128xf32, #tpu.memory_space<vmem>>
    %dma_start3A_14 = arith.constant 0 : i32
    %dma_start3A_15 = tpu.memref_slice %arg7[%dma_start3A, %dma_start3A_14] : memref<80x64xi32, #tpu.memory_space<vmem>> -> memref<1x64xi32, #tpu.memory_space<vmem>>
    %dma_start3A_16 = tpu.memref_squeeze %dma_start3A_15 : memref<1x64xi32, #tpu.memory_space<vmem>> -> memref<64xi32, #tpu.memory_space<vmem>>
    %dma_start3A_17 = arith.constant 0 : i32
    %dma_start3A_18 = arith.constant 0 : i32
    %dma_start3A_19 = tpu.memref_slice %arg2[%dma_start3A_17, %dma_start3A_18] : memref<10000x128xf32, #tpu.memory_space<hbm>> -> memref<10000x128xf32, #tpu.memory_space<hbm>>
    tpu.enqueue_indirect_dma source(%dma_start3A_19 : memref<10000x128xf32, #tpu.memory_space<hbm>>) target(%dma_start3A_13 : memref<64x128xf32, #tpu.memory_space<vmem>>) offsets(%dma_start3A_16 : memref<64xi32, #tpu.memory_space<vmem>>) semaphore(%arg10 : memref<!tpu.dma_semaphore, #tpu.memory_space<semaphore_mem>>)
    %dma_start3A_20 = arith.constant 1 : i32
    %dma_start3A_21 = arith.constant 64 : i32
    %dma_start3A_22 = arith.constant 0 : i32
    %dma_start3A_23 = tpu.memref_slice %arg9[%dma_start3A_21, %dma_start3A_22] : memref<192x128xf32, #tpu.memory_space<vmem>> -> memref<64x128xf32, #tpu.memory_space<vmem>>
    %dma_start3A_24 = arith.constant 0 : i32
    %dma_start3A_25 = tpu.memref_slice %arg7[%dma_start3A_20, %dma_start3A_24] : memref<80x64xi32, #tpu.memory_space<vmem>> -> memref<1x64xi32, #tpu.memory_space<vmem>>
    %dma_start3A_26 = tpu.memref_squeeze %dma_start3A_25 : memref<1x64xi32, #tpu.memory_space<vmem>> -> memref<64xi32, #tpu.memory_space<vmem>>
    %dma_start3A_27 = arith.constant 0 : i32
    %dma_start3A_28 = arith.constant 0 : i32
    %dma_start3A_29 = tpu.memref_slice %arg2[%dma_start3A_27, %dma_start3A_28] : memref<10000x128xf32, #tpu.memory_space<hbm>> -> memref<10000x128xf32, #tpu.memory_space<hbm>>
    tpu.enqueue_indirect_dma source(%dma_start3A_29 : memref<10000x128xf32, #tpu.memory_space<hbm>>) target(%dma_start3A_23 : memref<64x128xf32, #tpu.memory_space<vmem>>) offsets(%dma_start3A_26 : memref<64xi32, #tpu.memory_space<vmem>>) semaphore(%arg11 : memref<!tpu.dma_semaphore, #tpu.memory_space<semaphore_mem>>)
    %dma_start3A_30 = arith.constant 2 : i32
    %dma_start3A_31 = arith.constant 128 : i32
    %dma_start3A_32 = arith.constant 0 : i32
    %dma_start3A_33 = tpu.memref_slice %arg9[%dma_start3A_31, %dma_start3A_32] : memref<192x128xf32, #tpu.memory_space<vmem>> -> memref<64x128xf32, #tpu.memory_space<vmem>>
    %dma_start3A_34 = arith.constant 0 : i32
    %dma_start3A_35 = tpu.memref_slice %arg7[%dma_start3A_30, %dma_start3A_34] : memref<80x64xi32, #tpu.memory_space<vmem>> -> memref<1x64xi32, #tpu.memory_space<vmem>>
    %dma_start3A_36 = tpu.memref_squeeze %dma_start3A_35 : memref<1x64xi32, #tpu.memory_space<vmem>> -> memref<64xi32, #tpu.memory_space<vmem>>
    %dma_start3A_37 = arith.constant 0 : i32
    %dma_start3A_38 = arith.constant 0 : i32
    %dma_start3A_39 = tpu.memref_slice %arg2[%dma_start3A_37, %dma_start3A_38] : memref<10000x128xf32, #tpu.memory_space<hbm>> -> memref<10000x128xf32, #tpu.memory_space<hbm>>
    tpu.enqueue_indirect_dma source(%dma_start3A_39 : memref<10000x128xf32, #tpu.memory_space<hbm>>) target(%dma_start3A_33 : memref<64x128xf32, #tpu.memory_space<vmem>>) offsets(%dma_start3A_36 : memref<64xi32, #tpu.memory_space<vmem>>) semaphore(%arg12 : memref<!tpu.dma_semaphore, #tpu.memory_space<semaphore_mem>>)
    %scan3A_40 = arith.constant 0 : i32
    %scan3A_41 = arith.constant 25 : i32
    %scan3A_42 = arith.addi %scan3A_40, %scan3A_41 : i32
    %scan3A_43 = arith.constant 1 : i32
    scf.for %scan3A_126 = %scan3A_40 to %scan3A_42 step %scan3A_43  : i32 {
      %mul3A_127 = arith.constant 3 : i32
      %mul3A_128 = arith.muli %scan3A_126, %mul3A_127 : i32
      %add3A_129 = arith.constant 0 : i32
      %add3A_130 = arith.addi %add3A_129, %mul3A_128 : i32
      %add3A_131 = arith.constant 0 : i32
      %add3A_132 = arith.addi %add3A_130, %add3A_131 : i32
      %dma_wait3A_133 = arith.constant 0 : i32
      %dma_wait3A_134 = arith.constant 0 : i32
      %dma_wait3A_135 = tpu.memref_slice %arg9[%dma_wait3A_133, %dma_wait3A_134] : memref<192x128xf32, #tpu.memory_space<vmem>> -> memref<64x128xf32, #tpu.memory_space<vmem>>
      %dma_wait3A_136 = arith.constant 0 : i32
      %dma_wait3A_137 = tpu.memref_slice %arg7[%add3A_132, %dma_wait3A_136] : memref<80x64xi32, #tpu.memory_space<vmem>> -> memref<1x64xi32, #tpu.memory_space<vmem>>
      %dma_wait3A_138 = tpu.memref_squeeze %dma_wait3A_137 : memref<1x64xi32, #tpu.memory_space<vmem>> -> memref<64xi32, #tpu.memory_space<vmem>>
      %dma_wait3A_139 = arith.constant 0 : i32
      %dma_wait3A_140 = arith.constant 0 : i32
      %dma_wait3A_141 = tpu.memref_slice %arg2[%dma_wait3A_139, %dma_wait3A_140] : memref<10000x128xf32, #tpu.memory_space<hbm>> -> memref<10000x128xf32, #tpu.memory_space<hbm>>
      tpu.wait_indirect_dma semaphore(%arg10 : memref<!tpu.dma_semaphore, #tpu.memory_space<semaphore_mem>>) src(%dma_wait3A_141 : memref<10000x128xf32, #tpu.memory_space<hbm>>) dst(%dma_wait3A_135 : memref<64x128xf32, #tpu.memory_space<vmem>>)
      %add3A_142 = arith.constant 0 : i32
      %add3A_143 = arith.addi %add3A_130, %add3A_142 : i32
      "tpu.region"() ({
        %run_scoped3A_209 = tpu.sem_alloc : memref<!tpu.dma_semaphore, #tpu.memory_space<semaphore_mem>>
        %dma_start3A_210 = arith.constant 0 : i32
        %dma_start3A_211 = arith.constant 0 : i32
        %dma_start3A_212 = tpu.memref_slice %arg9[%dma_start3A_210, %dma_start3A_211] : memref<192x128xf32, #tpu.memory_space<vmem>> -> memref<64x128xf32, #tpu.memory_space<vmem>>
        %dma_start3A_213 = arith.constant 0 : i32
        %dma_start3A_214 = tpu.memref_slice %arg8[%add3A_143, %dma_start3A_213] : memref<80x64xi32, #tpu.memory_space<vmem>> -> memref<1x64xi32, #tpu.memory_space<vmem>>
        %dma_start3A_215 = tpu.memref_squeeze %dma_start3A_214 : memref<1x64xi32, #tpu.memory_space<vmem>> -> memref<64xi32, #tpu.memory_space<vmem>>
        %dma_start3A_216 = arith.constant 0 : i32
        %dma_start3A_217 = arith.constant 0 : i32
        %dma_start3A_218 = tpu.memref_slice %arg16[%dma_start3A_216, %dma_start3A_217] : memref<10240x128xf32, #tpu.memory_space<vmem_shared>> -> memref<10240x128xf32, #tpu.memory_space<vmem_shared>>
        tpu.enqueue_indirect_dma source(%dma_start3A_212 : memref<64x128xf32, #tpu.memory_space<vmem>>) target(%dma_start3A_218 : memref<10240x128xf32, #tpu.memory_space<vmem_shared>>) offsets(%dma_start3A_215 : memref<64xi32, #tpu.memory_space<vmem>>) semaphore(%run_scoped3A_209 : memref<!tpu.dma_semaphore, #tpu.memory_space<semaphore_mem>>) {add = true}
        %dma_wait3A_219 = arith.constant 0 : i32
        %dma_wait3A_220 = arith.constant 0 : i32
        %dma_wait3A_221 = tpu.memref_slice %arg9[%dma_wait3A_219, %dma_wait3A_220] : memref<192x128xf32, #tpu.memory_space<vmem>> -> memref<64x128xf32, #tpu.memory_space<vmem>>
        %dma_wait3A_222 = arith.constant 0 : i32
        %dma_wait3A_223 = tpu.memref_slice %arg8[%add3A_143, %dma_wait3A_222] : memref<80x64xi32, #tpu.memory_space<vmem>> -> memref<1x64xi32, #tpu.memory_space<vmem>>
        %dma_wait3A_224 = tpu.memref_squeeze %dma_wait3A_223 : memref<1x64xi32, #tpu.memory_space<vmem>> -> memref<64xi32, #tpu.memory_space<vmem>>
        %dma_wait3A_225 = arith.constant 0 : i32
        %dma_wait3A_226 = arith.constant 0 : i32
        %dma_wait3A_227 = tpu.memref_slice %arg16[%dma_wait3A_225, %dma_wait3A_226] : memref<10240x128xf32, #tpu.memory_space<vmem_shared>> -> memref<10240x128xf32, #tpu.memory_space<vmem_shared>>
        tpu.wait_indirect_dma semaphore(%run_scoped3A_209 : memref<!tpu.dma_semaphore, #tpu.memory_space<semaphore_mem>>) src(%dma_wait3A_221 : memref<64x128xf32, #tpu.memory_space<vmem>>) dst(%dma_wait3A_227 : memref<10240x128xf32, #tpu.memory_space<vmem_shared>>)
        tpu.yield
      }) : () -> ()
      %add3A_144 = arith.constant 3 : i32
      %add3A_145 = arith.addi %add3A_130, %add3A_144 : i32
      %add3A_146 = arith.constant 0 : i32
      %add3A_147 = arith.addi %add3A_145, %add3A_146 : i32
      %dma_start3A_148 = arith.constant 0 : i32
      %dma_start3A_149 = arith.constant 0 : i32
      %dma_start3A_150 = tpu.memref_slice %arg9[%dma_start3A_148, %dma_start3A_149] : memref<192x128xf32, #tpu.memory_space<vmem>> -> memref<64x128xf32, #tpu.memory_space<vmem>>
      %dma_start3A_151 = arith.constant 0 : i32
      %dma_start3A_152 = tpu.memref_slice %arg7[%add3A_147, %dma_start3A_151] : memref<80x64xi32, #tpu.memory_space<vmem>> -> memref<1x64xi32, #tpu.memory_space<vmem>>
      %dma_start3A_153 = tpu.memref_squeeze %dma_start3A_152 : memref<1x64xi32, #tpu.memory_space<vmem>> -> memref<64xi32, #tpu.memory_space<vmem>>
      %dma_start3A_154 = arith.constant 0 : i32
      %dma_start3A_155 = arith.constant 0 : i32
      %dma_start3A_156 = tpu.memref_slice %arg2[%dma_start3A_154, %dma_start3A_155] : memref<10000x128xf32, #tpu.memory_space<hbm>> -> memref<10000x128xf32, #tpu.memory_space<hbm>>
      tpu.enqueue_indirect_dma source(%dma_start3A_156 : memref<10000x128xf32, #tpu.memory_space<hbm>>) target(%dma_start3A_150 : memref<64x128xf32, #tpu.memory_space<vmem>>) offsets(%dma_start3A_153 : memref<64xi32, #tpu.memory_space<vmem>>) semaphore(%arg10 : memref<!tpu.dma_semaphore, #tpu.memory_space<semaphore_mem>>)
      %add3A_157 = arith.constant 1 : i32
      %add3A_158 = arith.addi %add3A_130, %add3A_157 : i32
      %dma_wait3A_159 = arith.constant 64 : i32
      %dma_wait3A_160 = arith.constant 0 : i32
      %dma_wait3A_161 = tpu.memref_slice %arg9[%dma_wait3A_159, %dma_wait3A_160] : memref<192x128xf32, #tpu.memory_space<vmem>> -> memref<64x128xf32, #tpu.memory_space<vmem>>
      %dma_wait3A_162 = arith.constant 0 : i32
      %dma_wait3A_163 = tpu.memref_slice %arg7[%add3A_158, %dma_wait3A_162] : memref<80x64xi32, #tpu.memory_space<vmem>> -> memref<1x64xi32, #tpu.memory_space<vmem>>
      %dma_wait3A_164 = tpu.memref_squeeze %dma_wait3A_163 : memref<1x64xi32, #tpu.memory_space<vmem>> -> memref<64xi32, #tpu.memory_space<vmem>>
      %dma_wait3A_165 = arith.constant 0 : i32
      %dma_wait3A_166 = arith.constant 0 : i32
      %dma_wait3A_167 = tpu.memref_slice %arg2[%dma_wait3A_165, %dma_wait3A_166] : memref<10000x128xf32, #tpu.memory_space<hbm>> -> memref<10000x128xf32, #tpu.memory_space<hbm>>
      tpu.wait_indirect_dma semaphore(%arg11 : memref<!tpu.dma_semaphore, #tpu.memory_space<semaphore_mem>>) src(%dma_wait3A_167 : memref<10000x128xf32, #tpu.memory_space<hbm>>) dst(%dma_wait3A_161 : memref<64x128xf32, #tpu.memory_space<vmem>>)
      %add3A_168 = arith.constant 1 : i32
      %add3A_169 = arith.addi %add3A_130, %add3A_168 : i32
      "tpu.region"() ({
        %run_scoped3A_209 = tpu.sem_alloc : memref<!tpu.dma_semaphore, #tpu.memory_space<semaphore_mem>>
        %dma_start3A_210 = arith.constant 64 : i32
        %dma_start3A_211 = arith.constant 0 : i32
        %dma_start3A_212 = tpu.memref_slice %arg9[%dma_start3A_210, %dma_start3A_211] : memref<192x128xf32, #tpu.memory_space<vmem>> -> memref<64x128xf32, #tpu.memory_space<vmem>>
        %dma_start3A_213 = arith.constant 0 : i32
        %dma_start3A_214 = tpu.memref_slice %arg8[%add3A_169, %dma_start3A_213] : memref<80x64xi32, #tpu.memory_space<vmem>> -> memref<1x64xi32, #tpu.memory_space<vmem>>
        %dma_start3A_215 = tpu.memref_squeeze %dma_start3A_214 : memref<1x64xi32, #tpu.memory_space<vmem>> -> memref<64xi32, #tpu.memory_space<vmem>>
        %dma_start3A_216 = arith.constant 0 : i32
        %dma_start3A_217 = arith.constant 0 : i32
        %dma_start3A_218 = tpu.memref_slice %arg16[%dma_start3A_216, %dma_start3A_217] : memref<10240x128xf32, #tpu.memory_space<vmem_shared>> -> memref<10240x128xf32, #tpu.memory_space<vmem_shared>>
        tpu.enqueue_indirect_dma source(%dma_start3A_212 : memref<64x128xf32, #tpu.memory_space<vmem>>) target(%dma_start3A_218 : memref<10240x128xf32, #tpu.memory_space<vmem_shared>>) offsets(%dma_start3A_215 : memref<64xi32, #tpu.memory_space<vmem>>) semaphore(%run_scoped3A_209 : memref<!tpu.dma_semaphore, #tpu.memory_space<semaphore_mem>>) {add = true}
        %dma_wait3A_219 = arith.constant 64 : i32
        %dma_wait3A_220 = arith.constant 0 : i32
        %dma_wait3A_221 = tpu.memref_slice %arg9[%dma_wait3A_219, %dma_wait3A_220] : memref<192x128xf32, #tpu.memory_space<vmem>> -> memref<64x128xf32, #tpu.memory_space<vmem>>
        %dma_wait3A_222 = arith.constant 0 : i32
        %dma_wait3A_223 = tpu.memref_slice %arg8[%add3A_169, %dma_wait3A_222] : memref<80x64xi32, #tpu.memory_space<vmem>> -> memref<1x64xi32, #tpu.memory_space<vmem>>
        %dma_wait3A_224 = tpu.memref_squeeze %dma_wait3A_223 : memref<1x64xi32, #tpu.memory_space<vmem>> -> memref<64xi32, #tpu.memory_space<vmem>>
        %dma_wait3A_225 = arith.constant 0 : i32
        %dma_wait3A_226 = arith.constant 0 : i32
        %dma_wait3A_227 = tpu.memref_slice %arg16[%dma_wait3A_225, %dma_wait3A_226] : memref<10240x128xf32, #tpu.memory_space<vmem_shared>> -> memref<10240x128xf32, #tpu.memory_space<vmem_shared>>
        tpu.wait_indirect_dma semaphore(%run_scoped3A_209 : memref<!tpu.dma_semaphore, #tpu.memory_space<semaphore_mem>>) src(%dma_wait3A_221 : memref<64x128xf32, #tpu.memory_space<vmem>>) dst(%dma_wait3A_227 : memref<10240x128xf32, #tpu.memory_space<vmem_shared>>)
        tpu.yield
      }) : () -> ()
      %add3A_170 = arith.constant 3 : i32
      %add3A_171 = arith.addi %add3A_130, %add3A_170 : i32
      %add3A_172 = arith.constant 1 : i32
      %add3A_173 = arith.addi %add3A_171, %add3A_172 : i32
      %dma_start3A_174 = arith.constant 64 : i32
      %dma_start3A_175 = arith.constant 0 : i32
      %dma_start3A_176 = tpu.memref_slice %arg9[%dma_start3A_174, %dma_start3A_175] : memref<192x128xf32, #tpu.memory_space<vmem>> -> memref<64x128xf32, #tpu.memory_space<vmem>>
      %dma_start3A_177 = arith.constant 0 : i32
      %dma_start3A_178 = tpu.memref_slice %arg7[%add3A_173, %dma_start3A_177] : memref<80x64xi32, #tpu.memory_space<vmem>> -> memref<1x64xi32, #tpu.memory_space<vmem>>
      %dma_start3A_179 = tpu.memref_squeeze %dma_start3A_178 : memref<1x64xi32, #tpu.memory_space<vmem>> -> memref<64xi32, #tpu.memory_space<vmem>>
      %dma_start3A_180 = arith.constant 0 : i32
      %dma_start3A_181 = arith.constant 0 : i32
      %dma_start3A_182 = tpu.memref_slice %arg2[%dma_start3A_180, %dma_start3A_181] : memref<10000x128xf32, #tpu.memory_space<hbm>> -> memref<10000x128xf32, #tpu.memory_space<hbm>>
      tpu.enqueue_indirect_dma source(%dma_start3A_182 : memref<10000x128xf32, #tpu.memory_space<hbm>>) target(%dma_start3A_176 : memref<64x128xf32, #tpu.memory_space<vmem>>) offsets(%dma_start3A_179 : memref<64xi32, #tpu.memory_space<vmem>>) semaphore(%arg11 : memref<!tpu.dma_semaphore, #tpu.memory_space<semaphore_mem>>)
      %add3A_183 = arith.constant 2 : i32
      %add3A_184 = arith.addi %add3A_130, %add3A_183 : i32
      %dma_wait3A_185 = arith.constant 128 : i32
      %dma_wait3A_186 = arith.constant 0 : i32
      %dma_wait3A_187 = tpu.memref_slice %arg9[%dma_wait3A_185, %dma_wait3A_186] : memref<192x128xf32, #tpu.memory_space<vmem>> -> memref<64x128xf32, #tpu.memory_space<vmem>>
      %dma_wait3A_188 = arith.constant 0 : i32
      %dma_wait3A_189 = tpu.memref_slice %arg7[%add3A_184, %dma_wait3A_188] : memref<80x64xi32, #tpu.memory_space<vmem>> -> memref<1x64xi32, #tpu.memory_space<vmem>>
      %dma_wait3A_190 = tpu.memref_squeeze %dma_wait3A_189 : memref<1x64xi32, #tpu.memory_space<vmem>> -> memref<64xi32, #tpu.memory_space<vmem>>
      %dma_wait3A_191 = arith.constant 0 : i32
      %dma_wait3A_192 = arith.constant 0 : i32
      %dma_wait3A_193 = tpu.memref_slice %arg2[%dma_wait3A_191, %dma_wait3A_192] : memref<10000x128xf32, #tpu.memory_space<hbm>> -> memref<10000x128xf32, #tpu.memory_space<hbm>>
      tpu.wait_indirect_dma semaphore(%arg12 : memref<!tpu.dma_semaphore, #tpu.memory_space<semaphore_mem>>) src(%dma_wait3A_193 : memref<10000x128xf32, #tpu.memory_space<hbm>>) dst(%dma_wait3A_187 : memref<64x128xf32, #tpu.memory_space<vmem>>)
      %add3A_194 = arith.constant 2 : i32
      %add3A_195 = arith.addi %add3A_130, %add3A_194 : i32
      "tpu.region"() ({
        %run_scoped3A_209 = tpu.sem_alloc : memref<!tpu.dma_semaphore, #tpu.memory_space<semaphore_mem>>
        %dma_start3A_210 = arith.constant 128 : i32
        %dma_start3A_211 = arith.constant 0 : i32
        %dma_start3A_212 = tpu.memref_slice %arg9[%dma_start3A_210, %dma_start3A_211] : memref<192x128xf32, #tpu.memory_space<vmem>> -> memref<64x128xf32, #tpu.memory_space<vmem>>
        %dma_start3A_213 = arith.constant 0 : i32
        %dma_start3A_214 = tpu.memref_slice %arg8[%add3A_195, %dma_start3A_213] : memref<80x64xi32, #tpu.memory_space<vmem>> -> memref<1x64xi32, #tpu.memory_space<vmem>>
        %dma_start3A_215 = tpu.memref_squeeze %dma_start3A_214 : memref<1x64xi32, #tpu.memory_space<vmem>> -> memref<64xi32, #tpu.memory_space<vmem>>
        %dma_start3A_216 = arith.constant 0 : i32
        %dma_start3A_217 = arith.constant 0 : i32
        %dma_start3A_218 = tpu.memref_slice %arg16[%dma_start3A_216, %dma_start3A_217] : memref<10240x128xf32, #tpu.memory_space<vmem_shared>> -> memref<10240x128xf32, #tpu.memory_space<vmem_shared>>
        tpu.enqueue_indirect_dma source(%dma_start3A_212 : memref<64x128xf32, #tpu.memory_space<vmem>>) target(%dma_start3A_218 : memref<10240x128xf32, #tpu.memory_space<vmem_shared>>) offsets(%dma_start3A_215 : memref<64xi32, #tpu.memory_space<vmem>>) semaphore(%run_scoped3A_209 : memref<!tpu.dma_semaphore, #tpu.memory_space<semaphore_mem>>) {add = true}
        %dma_wait3A_219 = arith.constant 128 : i32
        %dma_wait3A_220 = arith.constant 0 : i32
        %dma_wait3A_221 = tpu.memref_slice %arg9[%dma_wait3A_219, %dma_wait3A_220] : memref<192x128xf32, #tpu.memory_space<vmem>> -> memref<64x128xf32, #tpu.memory_space<vmem>>
        %dma_wait3A_222 = arith.constant 0 : i32
        %dma_wait3A_223 = tpu.memref_slice %arg8[%add3A_195, %dma_wait3A_222] : memref<80x64xi32, #tpu.memory_space<vmem>> -> memref<1x64xi32, #tpu.memory_space<vmem>>
        %dma_wait3A_224 = tpu.memref_squeeze %dma_wait3A_223 : memref<1x64xi32, #tpu.memory_space<vmem>> -> memref<64xi32, #tpu.memory_space<vmem>>
        %dma_wait3A_225 = arith.constant 0 : i32
        %dma_wait3A_226 = arith.constant 0 : i32
        %dma_wait3A_227 = tpu.memref_slice %arg16[%dma_wait3A_225, %dma_wait3A_226] : memref<10240x128xf32, #tpu.memory_space<vmem_shared>> -> memref<10240x128xf32, #tpu.memory_space<vmem_shared>>
        tpu.wait_indirect_dma semaphore(%run_scoped3A_209 : memref<!tpu.dma_semaphore, #tpu.memory_space<semaphore_mem>>) src(%dma_wait3A_221 : memref<64x128xf32, #tpu.memory_space<vmem>>) dst(%dma_wait3A_227 : memref<10240x128xf32, #tpu.memory_space<vmem_shared>>)
        tpu.yield
      }) : () -> ()
      %add3A_196 = arith.constant 3 : i32
      %add3A_197 = arith.addi %add3A_130, %add3A_196 : i32
      %add3A_198 = arith.constant 2 : i32
      %add3A_199 = arith.addi %add3A_197, %add3A_198 : i32
      %dma_start3A_200 = arith.constant 128 : i32
      %dma_start3A_201 = arith.constant 0 : i32
      %dma_start3A_202 = tpu.memref_slice %arg9[%dma_start3A_200, %dma_start3A_201] : memref<192x128xf32, #tpu.memory_space<vmem>> -> memref<64x128xf32, #tpu.memory_space<vmem>>
      %dma_start3A_203 = arith.constant 0 : i32
      %dma_start3A_204 = tpu.memref_slice %arg7[%add3A_199, %dma_start3A_203] : memref<80x64xi32, #tpu.memory_space<vmem>> -> memref<1x64xi32, #tpu.memory_space<vmem>>
      %dma_start3A_205 = tpu.memref_squeeze %dma_start3A_204 : memref<1x64xi32, #tpu.memory_space<vmem>> -> memref<64xi32, #tpu.memory_space<vmem>>
      %dma_start3A_206 = arith.constant 0 : i32
      %dma_start3A_207 = arith.constant 0 : i32
      %dma_start3A_208 = tpu.memref_slice %arg2[%dma_start3A_206, %dma_start3A_207] : memref<10000x128xf32, #tpu.memory_space<hbm>> -> memref<10000x128xf32, #tpu.memory_space<hbm>>
      tpu.enqueue_indirect_dma source(%dma_start3A_208 : memref<10000x128xf32, #tpu.memory_space<hbm>>) target(%dma_start3A_202 : memref<64x128xf32, #tpu.memory_space<vmem>>) offsets(%dma_start3A_205 : memref<64xi32, #tpu.memory_space<vmem>>) semaphore(%arg12 : memref<!tpu.dma_semaphore, #tpu.memory_space<semaphore_mem>>)
    }
    %scan3A_44 = arith.constant 25 : i32
    %dma_wait3A = arith.constant 75 : i32
    %dma_wait3A_45 = arith.constant 0 : i32
    %dma_wait3A_46 = arith.constant 0 : i32
    %dma_wait3A_47 = tpu.memref_slice %arg9[%dma_wait3A_45, %dma_wait3A_46] : memref<192x128xf32, #tpu.memory_space<vmem>> -> memref<64x128xf32, #tpu.memory_space<vmem>>
    %dma_wait3A_48 = arith.constant 0 : i32
    %dma_wait3A_49 = tpu.memref_slice %arg7[%dma_wait3A, %dma_wait3A_48] : memref<80x64xi32, #tpu.memory_space<vmem>> -> memref<1x64xi32, #tpu.memory_space<vmem>>
    %dma_wait3A_50 = tpu.memref_squeeze %dma_wait3A_49 : memref<1x64xi32, #tpu.memory_space<vmem>> -> memref<64xi32, #tpu.memory_space<vmem>>
    %dma_wait3A_51 = arith.constant 0 : i32
    %dma_wait3A_52 = arith.constant 0 : i32
    %dma_wait3A_53 = tpu.memref_slice %arg2[%dma_wait3A_51, %dma_wait3A_52] : memref<10000x128xf32, #tpu.memory_space<hbm>> -> memref<10000x128xf32, #tpu.memory_space<hbm>>
    tpu.wait_indirect_dma semaphore(%arg10 : memref<!tpu.dma_semaphore, #tpu.memory_space<semaphore_mem>>) src(%dma_wait3A_53 : memref<10000x128xf32, #tpu.memory_space<hbm>>) dst(%dma_wait3A_47 : memref<64x128xf32, #tpu.memory_space<vmem>>)
    %run_scoped3A = arith.constant 75 : i32
    "tpu.region"() ({
      %run_scoped3A_126 = tpu.sem_alloc : memref<!tpu.dma_semaphore, #tpu.memory_space<semaphore_mem>>
      %dma_start3A_127 = arith.constant 0 : i32
      %dma_start3A_128 = arith.constant 0 : i32
      %dma_start3A_129 = tpu.memref_slice %arg9[%dma_start3A_127, %dma_start3A_128] : memref<192x128xf32, #tpu.memory_space<vmem>> -> memref<64x128xf32, #tpu.memory_space<vmem>>
      %dma_start3A_130 = arith.constant 0 : i32
      %dma_start3A_131 = tpu.memref_slice %arg8[%run_scoped3A, %dma_start3A_130] : memref<80x64xi32, #tpu.memory_space<vmem>> -> memref<1x64xi32, #tpu.memory_space<vmem>>
      %dma_start3A_132 = tpu.memref_squeeze %dma_start3A_131 : memref<1x64xi32, #tpu.memory_space<vmem>> -> memref<64xi32, #tpu.memory_space<vmem>>
      %dma_start3A_133 = arith.constant 0 : i32
      %dma_start3A_134 = arith.constant 0 : i32
      %dma_start3A_135 = tpu.memref_slice %arg16[%dma_start3A_133, %dma_start3A_134] : memref<10240x128xf32, #tpu.memory_space<vmem_shared>> -> memref<10240x128xf32, #tpu.memory_space<vmem_shared>>
      tpu.enqueue_indirect_dma source(%dma_start3A_129 : memref<64x128xf32, #tpu.memory_space<vmem>>) target(%dma_start3A_135 : memref<10240x128xf32, #tpu.memory_space<vmem_shared>>) offsets(%dma_start3A_132 : memref<64xi32, #tpu.memory_space<vmem>>) semaphore(%run_scoped3A_126 : memref<!tpu.dma_semaphore, #tpu.memory_space<semaphore_mem>>) {add = true}
      %dma_wait3A_136 = arith.constant 0 : i32
      %dma_wait3A_137 = arith.constant 0 : i32
      %dma_wait3A_138 = tpu.memref_slice %arg9[%dma_wait3A_136, %dma_wait3A_137] : memref<192x128xf32, #tpu.memory_space<vmem>> -> memref<64x128xf32, #tpu.memory_space<vmem>>
      %dma_wait3A_139 = arith.constant 0 : i32
      %dma_wait3A_140 = tpu.memref_slice %arg8[%run_scoped3A, %dma_wait3A_139] : memref<80x64xi32, #tpu.memory_space<vmem>> -> memref<1x64xi32, #tpu.memory_space<vmem>>
      %dma_wait3A_141 = tpu.memref_squeeze %dma_wait3A_140 : memref<1x64xi32, #tpu.memory_space<vmem>> -> memref<64xi32, #tpu.memory_space<vmem>>
      %dma_wait3A_142 = arith.constant 0 : i32
      %dma_wait3A_143 = arith.constant 0 : i32
      %dma_wait3A_144 = tpu.memref_slice %arg16[%dma_wait3A_142, %dma_wait3A_143] : memref<10240x128xf32, #tpu.memory_space<vmem_shared>> -> memref<10240x128xf32, #tpu.memory_space<vmem_shared>>
      tpu.wait_indirect_dma semaphore(%run_scoped3A_126 : memref<!tpu.dma_semaphore, #tpu.memory_space<semaphore_mem>>) src(%dma_wait3A_138 : memref<64x128xf32, #tpu.memory_space<vmem>>) dst(%dma_wait3A_144 : memref<10240x128xf32, #tpu.memory_space<vmem_shared>>)
      tpu.yield
    }) : () -> ()
    %dma_wait3A_54 = arith.constant 76 : i32
    %dma_wait3A_55 = arith.constant 64 : i32
    %dma_wait3A_56 = arith.constant 0 : i32
    %dma_wait3A_57 = tpu.memref_slice %arg9[%dma_wait3A_55, %dma_wait3A_56] : memref<192x128xf32, #tpu.memory_space<vmem>> -> memref<64x128xf32, #tpu.memory_space<vmem>>
    %dma_wait3A_58 = arith.constant 0 : i32
    %dma_wait3A_59 = tpu.memref_slice %arg7[%dma_wait3A_54, %dma_wait3A_58] : memref<80x64xi32, #tpu.memory_space<vmem>> -> memref<1x64xi32, #tpu.memory_space<vmem>>
    %dma_wait3A_60 = tpu.memref_squeeze %dma_wait3A_59 : memref<1x64xi32, #tpu.memory_space<vmem>> -> memref<64xi32, #tpu.memory_space<vmem>>
    %dma_wait3A_61 = arith.constant 0 : i32
    %dma_wait3A_62 = arith.constant 0 : i32
    %dma_wait3A_63 = tpu.memref_slice %arg2[%dma_wait3A_61, %dma_wait3A_62] : memref<10000x128xf32, #tpu.memory_space<hbm>> -> memref<10000x128xf32, #tpu.memory_space<hbm>>
    tpu.wait_indirect_dma semaphore(%arg11 : memref<!tpu.dma_semaphore, #tpu.memory_space<semaphore_mem>>) src(%dma_wait3A_63 : memref<10000x128xf32, #tpu.memory_space<hbm>>) dst(%dma_wait3A_57 : memref<64x128xf32, #tpu.memory_space<vmem>>)
    %run_scoped3A_64 = arith.constant 76 : i32
    "tpu.region"() ({
      %run_scoped3A_126 = tpu.sem_alloc : memref<!tpu.dma_semaphore, #tpu.memory_space<semaphore_mem>>
      %dma_start3A_127 = arith.constant 64 : i32
      %dma_start3A_128 = arith.constant 0 : i32
      %dma_start3A_129 = tpu.memref_slice %arg9[%dma_start3A_127, %dma_start3A_128] : memref<192x128xf32, #tpu.memory_space<vmem>> -> memref<64x128xf32, #tpu.memory_space<vmem>>
      %dma_start3A_130 = arith.constant 0 : i32
      %dma_start3A_131 = tpu.memref_slice %arg8[%run_scoped3A_64, %dma_start3A_130] : memref<80x64xi32, #tpu.memory_space<vmem>> -> memref<1x64xi32, #tpu.memory_space<vmem>>
      %dma_start3A_132 = tpu.memref_squeeze %dma_start3A_131 : memref<1x64xi32, #tpu.memory_space<vmem>> -> memref<64xi32, #tpu.memory_space<vmem>>
      %dma_start3A_133 = arith.constant 0 : i32
      %dma_start3A_134 = arith.constant 0 : i32
      %dma_start3A_135 = tpu.memref_slice %arg16[%dma_start3A_133, %dma_start3A_134] : memref<10240x128xf32, #tpu.memory_space<vmem_shared>> -> memref<10240x128xf32, #tpu.memory_space<vmem_shared>>
      tpu.enqueue_indirect_dma source(%dma_start3A_129 : memref<64x128xf32, #tpu.memory_space<vmem>>) target(%dma_start3A_135 : memref<10240x128xf32, #tpu.memory_space<vmem_shared>>) offsets(%dma_start3A_132 : memref<64xi32, #tpu.memory_space<vmem>>) semaphore(%run_scoped3A_126 : memref<!tpu.dma_semaphore, #tpu.memory_space<semaphore_mem>>) {add = true}
      %dma_wait3A_136 = arith.constant 64 : i32
      %dma_wait3A_137 = arith.constant 0 : i32
      %dma_wait3A_138 = tpu.memref_slice %arg9[%dma_wait3A_136, %dma_wait3A_137] : memref<192x128xf32, #tpu.memory_space<vmem>> -> memref<64x128xf32, #tpu.memory_space<vmem>>
      %dma_wait3A_139 = arith.constant 0 : i32
      %dma_wait3A_140 = tpu.memref_slice %arg8[%run_scoped3A_64, %dma_wait3A_139] : memref<80x64xi32, #tpu.memory_space<vmem>> -> memref<1x64xi32, #tpu.memory_space<vmem>>
      %dma_wait3A_141 = tpu.memref_squeeze %dma_wait3A_140 : memref<1x64xi32, #tpu.memory_space<vmem>> -> memref<64xi32, #tpu.memory_space<vmem>>
      %dma_wait3A_142 = arith.constant 0 : i32
      %dma_wait3A_143 = arith.constant 0 : i32
      %dma_wait3A_144 = tpu.memref_slice %arg16[%dma_wait3A_142, %dma_wait3A_143] : memref<10240x128xf32, #tpu.memory_space<vmem_shared>> -> memref<10240x128xf32, #tpu.memory_space<vmem_shared>>
      tpu.wait_indirect_dma semaphore(%run_scoped3A_126 : memref<!tpu.dma_semaphore, #tpu.memory_space<semaphore_mem>>) src(%dma_wait3A_138 : memref<64x128xf32, #tpu.memory_space<vmem>>) dst(%dma_wait3A_144 : memref<10240x128xf32, #tpu.memory_space<vmem_shared>>)
      tpu.yield
    }) : () -> ()
    %dma_wait3A_65 = arith.constant 77 : i32
    %dma_wait3A_66 = arith.constant 128 : i32
    %dma_wait3A_67 = arith.constant 0 : i32
    %dma_wait3A_68 = tpu.memref_slice %arg9[%dma_wait3A_66, %dma_wait3A_67] : memref<192x128xf32, #tpu.memory_space<vmem>> -> memref<64x128xf32, #tpu.memory_space<vmem>>
    %dma_wait3A_69 = arith.constant 0 : i32
    %dma_wait3A_70 = tpu.memref_slice %arg7[%dma_wait3A_65, %dma_wait3A_69] : memref<80x64xi32, #tpu.memory_space<vmem>> -> memref<1x64xi32, #tpu.memory_space<vmem>>
    %dma_wait3A_71 = tpu.memref_squeeze %dma_wait3A_70 : memref<1x64xi32, #tpu.memory_space<vmem>> -> memref<64xi32, #tpu.memory_space<vmem>>
    %dma_wait3A_72 = arith.constant 0 : i32
    %dma_wait3A_73 = arith.constant 0 : i32
    %dma_wait3A_74 = tpu.memref_slice %arg2[%dma_wait3A_72, %dma_wait3A_73] : memref<10000x128xf32, #tpu.memory_space<hbm>> -> memref<10000x128xf32, #tpu.memory_space<hbm>>
    tpu.wait_indirect_dma semaphore(%arg12 : memref<!tpu.dma_semaphore, #tpu.memory_space<semaphore_mem>>) src(%dma_wait3A_74 : memref<10000x128xf32, #tpu.memory_space<hbm>>) dst(%dma_wait3A_68 : memref<64x128xf32, #tpu.memory_space<vmem>>)
    %run_scoped3A_75 = arith.constant 77 : i32
    "tpu.region"() ({
      %run_scoped3A_126 = tpu.sem_alloc : memref<!tpu.dma_semaphore, #tpu.memory_space<semaphore_mem>>
      %dma_start3A_127 = arith.constant 128 : i32
      %dma_start3A_128 = arith.constant 0 : i32
      %dma_start3A_129 = tpu.memref_slice %arg9[%dma_start3A_127, %dma_start3A_128] : memref<192x128xf32, #tpu.memory_space<vmem>> -> memref<64x128xf32, #tpu.memory_space<vmem>>
      %dma_start3A_130 = arith.constant 0 : i32
      %dma_start3A_131 = tpu.memref_slice %arg8[%run_scoped3A_75, %dma_start3A_130] : memref<80x64xi32, #tpu.memory_space<vmem>> -> memref<1x64xi32, #tpu.memory_space<vmem>>
      %dma_start3A_132 = tpu.memref_squeeze %dma_start3A_131 : memref<1x64xi32, #tpu.memory_space<vmem>> -> memref<64xi32, #tpu.memory_space<vmem>>
      %dma_start3A_133 = arith.constant 0 : i32
      %dma_start3A_134 = arith.constant 0 : i32
      %dma_start3A_135 = tpu.memref_slice %arg16[%dma_start3A_133, %dma_start3A_134] : memref<10240x128xf32, #tpu.memory_space<vmem_shared>> -> memref<10240x128xf32, #tpu.memory_space<vmem_shared>>
      tpu.enqueue_indirect_dma source(%dma_start3A_129 : memref<64x128xf32, #tpu.memory_space<vmem>>) target(%dma_start3A_135 : memref<10240x128xf32, #tpu.memory_space<vmem_shared>>) offsets(%dma_start3A_132 : memref<64xi32, #tpu.memory_space<vmem>>) semaphore(%run_scoped3A_126 : memref<!tpu.dma_semaphore, #tpu.memory_space<semaphore_mem>>) {add = true}
      %dma_wait3A_136 = arith.constant 128 : i32
      %dma_wait3A_137 = arith.constant 0 : i32
      %dma_wait3A_138 = tpu.memref_slice %arg9[%dma_wait3A_136, %dma_wait3A_137] : memref<192x128xf32, #tpu.memory_space<vmem>> -> memref<64x128xf32, #tpu.memory_space<vmem>>
      %dma_wait3A_139 = arith.constant 0 : i32
      %dma_wait3A_140 = tpu.memref_slice %arg8[%run_scoped3A_75, %dma_wait3A_139] : memref<80x64xi32, #tpu.memory_space<vmem>> -> memref<1x64xi32, #tpu.memory_space<vmem>>
      %dma_wait3A_141 = tpu.memref_squeeze %dma_wait3A_140 : memref<1x64xi32, #tpu.memory_space<vmem>> -> memref<64xi32, #tpu.memory_space<vmem>>
      %dma_wait3A_142 = arith.constant 0 : i32
      %dma_wait3A_143 = arith.constant 0 : i32
      %dma_wait3A_144 = tpu.memref_slice %arg16[%dma_wait3A_142, %dma_wait3A_143] : memref<10240x128xf32, #tpu.memory_space<vmem_shared>> -> memref<10240x128xf32, #tpu.memory_space<vmem_shared>>
      tpu.wait_indirect_dma semaphore(%run_scoped3A_126 : memref<!tpu.dma_semaphore, #tpu.memory_space<semaphore_mem>>) src(%dma_wait3A_138 : memref<64x128xf32, #tpu.memory_space<vmem>>) dst(%dma_wait3A_144 : memref<10240x128xf32, #tpu.memory_space<vmem_shared>>)
      tpu.yield
    }) : () -> ()
    %dma_start3A_76 = arith.constant 78 : i32
    %dma_start3A_77 = arith.constant 0 : i32
    %dma_start3A_78 = arith.constant 0 : i32
    %dma_start3A_79 = tpu.memref_slice %arg9[%dma_start3A_77, %dma_start3A_78] : memref<192x128xf32, #tpu.memory_space<vmem>> -> memref<64x128xf32, #tpu.memory_space<vmem>>
    %dma_start3A_80 = arith.constant 0 : i32
    %dma_start3A_81 = tpu.memref_slice %arg7[%dma_start3A_76, %dma_start3A_80] : memref<80x64xi32, #tpu.memory_space<vmem>> -> memref<1x64xi32, #tpu.memory_space<vmem>>
    %dma_start3A_82 = tpu.memref_squeeze %dma_start3A_81 : memref<1x64xi32, #tpu.memory_space<vmem>> -> memref<64xi32, #tpu.memory_space<vmem>>
    %dma_start3A_83 = arith.constant 0 : i32
    %dma_start3A_84 = arith.constant 0 : i32
    %dma_start3A_85 = tpu.memref_slice %arg2[%dma_start3A_83, %dma_start3A_84] : memref<10000x128xf32, #tpu.memory_space<hbm>> -> memref<10000x128xf32, #tpu.memory_space<hbm>>
    tpu.enqueue_indirect_dma source(%dma_start3A_85 : memref<10000x128xf32, #tpu.memory_space<hbm>>) target(%dma_start3A_79 : memref<64x128xf32, #tpu.memory_space<vmem>>) offsets(%dma_start3A_82 : memref<64xi32, #tpu.memory_space<vmem>>) semaphore(%arg10 : memref<!tpu.dma_semaphore, #tpu.memory_space<semaphore_mem>>)
    %dma_wait3A_86 = arith.constant 78 : i32
    %dma_wait3A_87 = arith.constant 0 : i32
    %dma_wait3A_88 = arith.constant 0 : i32
    %dma_wait3A_89 = tpu.memref_slice %arg9[%dma_wait3A_87, %dma_wait3A_88] : memref<192x128xf32, #tpu.memory_space<vmem>> -> memref<64x128xf32, #tpu.memory_space<vmem>>
    %dma_wait3A_90 = arith.constant 0 : i32
    %dma_wait3A_91 = tpu.memref_slice %arg7[%dma_wait3A_86, %dma_wait3A_90] : memref<80x64xi32, #tpu.memory_space<vmem>> -> memref<1x64xi32, #tpu.memory_space<vmem>>
    %dma_wait3A_92 = tpu.memref_squeeze %dma_wait3A_91 : memref<1x64xi32, #tpu.memory_space<vmem>> -> memref<64xi32, #tpu.memory_space<vmem>>
    %dma_wait3A_93 = arith.constant 0 : i32
    %dma_wait3A_94 = arith.constant 0 : i32
    %dma_wait3A_95 = tpu.memref_slice %arg2[%dma_wait3A_93, %dma_wait3A_94] : memref<10000x128xf32, #tpu.memory_space<hbm>> -> memref<10000x128xf32, #tpu.memory_space<hbm>>
    tpu.wait_indirect_dma semaphore(%arg10 : memref<!tpu.dma_semaphore, #tpu.memory_space<semaphore_mem>>) src(%dma_wait3A_95 : memref<10000x128xf32, #tpu.memory_space<hbm>>) dst(%dma_wait3A_89 : memref<64x128xf32, #tpu.memory_space<vmem>>)
    %run_scoped3A_96 = arith.constant 78 : i32
    "tpu.region"() ({
      %run_scoped3A_126 = tpu.sem_alloc : memref<!tpu.dma_semaphore, #tpu.memory_space<semaphore_mem>>
      %dma_start3A_127 = arith.constant 0 : i32
      %dma_start3A_128 = arith.constant 0 : i32
      %dma_start3A_129 = tpu.memref_slice %arg9[%dma_start3A_127, %dma_start3A_128] : memref<192x128xf32, #tpu.memory_space<vmem>> -> memref<64x128xf32, #tpu.memory_space<vmem>>
      %dma_start3A_130 = arith.constant 0 : i32
      %dma_start3A_131 = tpu.memref_slice %arg8[%run_scoped3A_96, %dma_start3A_130] : memref<80x64xi32, #tpu.memory_space<vmem>> -> memref<1x64xi32, #tpu.memory_space<vmem>>
      %dma_start3A_132 = tpu.memref_squeeze %dma_start3A_131 : memref<1x64xi32, #tpu.memory_space<vmem>> -> memref<64xi32, #tpu.memory_space<vmem>>
      %dma_start3A_133 = arith.constant 0 : i32
      %dma_start3A_134 = arith.constant 0 : i32
      %dma_start3A_135 = tpu.memref_slice %arg16[%dma_start3A_133, %dma_start3A_134] : memref<10240x128xf32, #tpu.memory_space<vmem_shared>> -> memref<10240x128xf32, #tpu.memory_space<vmem_shared>>
      tpu.enqueue_indirect_dma source(%dma_start3A_129 : memref<64x128xf32, #tpu.memory_space<vmem>>) target(%dma_start3A_135 : memref<10240x128xf32, #tpu.memory_space<vmem_shared>>) offsets(%dma_start3A_132 : memref<64xi32, #tpu.memory_space<vmem>>) semaphore(%run_scoped3A_126 : memref<!tpu.dma_semaphore, #tpu.memory_space<semaphore_mem>>) {add = true}
      %dma_wait3A_136 = arith.constant 0 : i32
      %dma_wait3A_137 = arith.constant 0 : i32
      %dma_wait3A_138 = tpu.memref_slice %arg9[%dma_wait3A_136, %dma_wait3A_137] : memref<192x128xf32, #tpu.memory_space<vmem>> -> memref<64x128xf32, #tpu.memory_space<vmem>>
      %dma_wait3A_139 = arith.constant 0 : i32
      %dma_wait3A_140 = tpu.memref_slice %arg8[%run_scoped3A_96, %dma_wait3A_139] : memref<80x64xi32, #tpu.memory_space<vmem>> -> memref<1x64xi32, #tpu.memory_space<vmem>>
      %dma_wait3A_141 = tpu.memref_squeeze %dma_wait3A_140 : memref<1x64xi32, #tpu.memory_space<vmem>> -> memref<64xi32, #tpu.memory_space<vmem>>
      %dma_wait3A_142 = arith.constant 0 : i32
      %dma_wait3A_143 = arith.constant 0 : i32
      %dma_wait3A_144 = tpu.memref_slice %arg16[%dma_wait3A_142, %dma_wait3A_143] : memref<10240x128xf32, #tpu.memory_space<vmem_shared>> -> memref<10240x128xf32, #tpu.memory_space<vmem_shared>>
      tpu.wait_indirect_dma semaphore(%run_scoped3A_126 : memref<!tpu.dma_semaphore, #tpu.memory_space<semaphore_mem>>) src(%dma_wait3A_138 : memref<64x128xf32, #tpu.memory_space<vmem>>) dst(%dma_wait3A_144 : memref<10240x128xf32, #tpu.memory_space<vmem_shared>>)
      tpu.yield
    }) : () -> ()
    %dma_start3A_97 = arith.constant 79 : i32
    %dma_start3A_98 = arith.constant 64 : i32
    %dma_start3A_99 = arith.constant 0 : i32
    %dma_start3A_100 = tpu.memref_slice %arg9[%dma_start3A_98, %dma_start3A_99] : memref<192x128xf32, #tpu.memory_space<vmem>> -> memref<64x128xf32, #tpu.memory_space<vmem>>
    %dma_start3A_101 = arith.constant 0 : i32
    %dma_start3A_102 = tpu.memref_slice %arg7[%dma_start3A_97, %dma_start3A_101] : memref<80x64xi32, #tpu.memory_space<vmem>> -> memref<1x64xi32, #tpu.memory_space<vmem>>
    %dma_start3A_103 = tpu.memref_squeeze %dma_start3A_102 : memref<1x64xi32, #tpu.memory_space<vmem>> -> memref<64xi32, #tpu.memory_space<vmem>>
    %dma_start3A_104 = arith.constant 0 : i32
    %dma_start3A_105 = arith.constant 0 : i32
    %dma_start3A_106 = tpu.memref_slice %arg2[%dma_start3A_104, %dma_start3A_105] : memref<10000x128xf32, #tpu.memory_space<hbm>> -> memref<10000x128xf32, #tpu.memory_space<hbm>>
    tpu.enqueue_indirect_dma source(%dma_start3A_106 : memref<10000x128xf32, #tpu.memory_space<hbm>>) target(%dma_start3A_100 : memref<64x128xf32, #tpu.memory_space<vmem>>) offsets(%dma_start3A_103 : memref<64xi32, #tpu.memory_space<vmem>>) semaphore(%arg11 : memref<!tpu.dma_semaphore, #tpu.memory_space<semaphore_mem>>)
    %dma_wait3A_107 = arith.constant 79 : i32
    %dma_wait3A_108 = arith.constant 64 : i32
    %dma_wait3A_109 = arith.constant 0 : i32
    %dma_wait3A_110 = tpu.memref_slice %arg9[%dma_wait3A_108, %dma_wait3A_109] : memref<192x128xf32, #tpu.memory_space<vmem>> -> memref<64x128xf32, #tpu.memory_space<vmem>>
    %dma_wait3A_111 = arith.constant 0 : i32
    %dma_wait3A_112 = tpu.memref_slice %arg7[%dma_wait3A_107, %dma_wait3A_111] : memref<80x64xi32, #tpu.memory_space<vmem>> -> memref<1x64xi32, #tpu.memory_space<vmem>>
    %dma_wait3A_113 = tpu.memref_squeeze %dma_wait3A_112 : memref<1x64xi32, #tpu.memory_space<vmem>> -> memref<64xi32, #tpu.memory_space<vmem>>
    %dma_wait3A_114 = arith.constant 0 : i32
    %dma_wait3A_115 = arith.constant 0 : i32
    %dma_wait3A_116 = tpu.memref_slice %arg2[%dma_wait3A_114, %dma_wait3A_115] : memref<10000x128xf32, #tpu.memory_space<hbm>> -> memref<10000x128xf32, #tpu.memory_space<hbm>>
    tpu.wait_indirect_dma semaphore(%arg11 : memref<!tpu.dma_semaphore, #tpu.memory_space<semaphore_mem>>) src(%dma_wait3A_116 : memref<10000x128xf32, #tpu.memory_space<hbm>>) dst(%dma_wait3A_110 : memref<64x128xf32, #tpu.memory_space<vmem>>)
    %run_scoped3A_117 = arith.constant 79 : i32
    "tpu.region"() ({
      %run_scoped3A_126 = tpu.sem_alloc : memref<!tpu.dma_semaphore, #tpu.memory_space<semaphore_mem>>
      %dma_start3A_127 = arith.constant 64 : i32
      %dma_start3A_128 = arith.constant 0 : i32
      %dma_start3A_129 = tpu.memref_slice %arg9[%dma_start3A_127, %dma_start3A_128] : memref<192x128xf32, #tpu.memory_space<vmem>> -> memref<64x128xf32, #tpu.memory_space<vmem>>
      %dma_start3A_130 = arith.constant 0 : i32
      %dma_start3A_131 = tpu.memref_slice %arg8[%run_scoped3A_117, %dma_start3A_130] : memref<80x64xi32, #tpu.memory_space<vmem>> -> memref<1x64xi32, #tpu.memory_space<vmem>>
      %dma_start3A_132 = tpu.memref_squeeze %dma_start3A_131 : memref<1x64xi32, #tpu.memory_space<vmem>> -> memref<64xi32, #tpu.memory_space<vmem>>
      %dma_start3A_133 = arith.constant 0 : i32
      %dma_start3A_134 = arith.constant 0 : i32
      %dma_start3A_135 = tpu.memref_slice %arg16[%dma_start3A_133, %dma_start3A_134] : memref<10240x128xf32, #tpu.memory_space<vmem_shared>> -> memref<10240x128xf32, #tpu.memory_space<vmem_shared>>
      tpu.enqueue_indirect_dma source(%dma_start3A_129 : memref<64x128xf32, #tpu.memory_space<vmem>>) target(%dma_start3A_135 : memref<10240x128xf32, #tpu.memory_space<vmem_shared>>) offsets(%dma_start3A_132 : memref<64xi32, #tpu.memory_space<vmem>>) semaphore(%run_scoped3A_126 : memref<!tpu.dma_semaphore, #tpu.memory_space<semaphore_mem>>) {add = true}
      %dma_wait3A_136 = arith.constant 64 : i32
      %dma_wait3A_137 = arith.constant 0 : i32
      %dma_wait3A_138 = tpu.memref_slice %arg9[%dma_wait3A_136, %dma_wait3A_137] : memref<192x128xf32, #tpu.memory_space<vmem>> -> memref<64x128xf32, #tpu.memory_space<vmem>>
      %dma_wait3A_139 = arith.constant 0 : i32
      %dma_wait3A_140 = tpu.memref_slice %arg8[%run_scoped3A_117, %dma_wait3A_139] : memref<80x64xi32, #tpu.memory_space<vmem>> -> memref<1x64xi32, #tpu.memory_space<vmem>>
      %dma_wait3A_141 = tpu.memref_squeeze %dma_wait3A_140 : memref<1x64xi32, #tpu.memory_space<vmem>> -> memref<64xi32, #tpu.memory_space<vmem>>
      %dma_wait3A_142 = arith.constant 0 : i32
      %dma_wait3A_143 = arith.constant 0 : i32
      %dma_wait3A_144 = tpu.memref_slice %arg16[%dma_wait3A_142, %dma_wait3A_143] : memref<10240x128xf32, #tpu.memory_space<vmem_shared>> -> memref<10240x128xf32, #tpu.memory_space<vmem_shared>>
      tpu.wait_indirect_dma semaphore(%run_scoped3A_126 : memref<!tpu.dma_semaphore, #tpu.memory_space<semaphore_mem>>) src(%dma_wait3A_138 : memref<64x128xf32, #tpu.memory_space<vmem>>) dst(%dma_wait3A_144 : memref<10240x128xf32, #tpu.memory_space<vmem_shared>>)
      tpu.yield
    }) : () -> ()
    %barrier3A_118 = arith.constant 0 : index
    tpu.barrier barrier_id(%barrier3A_118)
    %eq3A = arith.constant 0 : i32
    %eq3A_119 = arith.cmpi eq, %arg0, %eq3A : i32
    %convert_element_type3A = arith.extui %eq3A_119 : i1 to i32
    %cond3A = arith.constant 0 : i32
    %cond3A_120 = arith.cmpi ne, %convert_element_type3A, %cond3A : i32
    scf.if %cond3A_120 {
      %mul3A_126 = arith.constant 624 : i32
      %mul3A_127 = arith.muli %arg1, %mul3A_126 : i32
      %mul3A_128 = arith.constant 624 : i32
      %mul3A_129 = arith.muli %arg1, %mul3A_128 : i32
      "tpu.region"() ({
        %run_scoped3A_135 = tpu.sem_alloc : memref<!tpu.dma_semaphore, #tpu.memory_space<semaphore_mem>>
        %dma_start3A_136 = arith.constant 0 : i32
        %dma_start3A_137 = tpu.memref_slice %arg5[%mul3A_129, %dma_start3A_136] : memref<10000x128xf32, #tpu.memory_space<hbm>> -> memref<624x128xf32, #tpu.memory_space<hbm>>
        %dma_start3A_138 = arith.constant 0 : i32
        %dma_start3A_139 = tpu.memref_slice %arg16[%mul3A_127, %dma_start3A_138] : memref<10240x128xf32, #tpu.memory_space<vmem_shared>> -> memref<624x128xf32, #tpu.memory_space<vmem_shared>>
        tpu.enqueue_dma source(%dma_start3A_139 : memref<624x128xf32, #tpu.memory_space<vmem_shared>>) target(%dma_start3A_137 : memref<624x128xf32, #tpu.memory_space<hbm>>) target_semaphore(%run_scoped3A_135 : memref<!tpu.dma_semaphore, #tpu.memory_space<semaphore_mem>>)
        %dma_wait3A_140 = arith.constant 0 : i32
        %dma_wait3A_141 = tpu.memref_slice %arg5[%mul3A_129, %dma_wait3A_140] : memref<10000x128xf32, #tpu.memory_space<hbm>> -> memref<624x128xf32, #tpu.memory_space<hbm>>
        %dma_wait3A_142 = arith.constant 0 : i32
        %dma_wait3A_143 = tpu.memref_slice %arg16[%mul3A_127, %dma_wait3A_142] : memref<10240x128xf32, #tpu.memory_space<vmem_shared>> -> memref<624x128xf32, #tpu.memory_space<vmem_shared>>
        tpu.wait_dma2 semaphore(%run_scoped3A_135 : memref<!tpu.dma_semaphore, #tpu.memory_space<semaphore_mem>>) src(%dma_wait3A_143 : memref<624x128xf32, #tpu.memory_space<vmem_shared>>) dst(%dma_wait3A_141 : memref<624x128xf32, #tpu.memory_space<hbm>>)
        tpu.yield
      }) : () -> ()
      %eq3A_130 = arith.constant 15 : i32
      %eq3A_131 = arith.cmpi eq, %arg1, %eq3A_130 : i32
      %convert_element_type3A_132 = arith.extui %eq3A_131 : i1 to i32
      %cond3A_133 = arith.constant 0 : i32
      %cond3A_134 = arith.cmpi ne, %convert_element_type3A_132, %cond3A_133 : i32
      scf.if %cond3A_134 {
        "tpu.region"() ({
          %run_scoped3A_135 = tpu.sem_alloc : memref<!tpu.dma_semaphore, #tpu.memory_space<semaphore_mem>>
          %dma_start3A_136 = arith.constant 9984 : i32
          %dma_start3A_137 = arith.constant 0 : i32
          %dma_start3A_138 = tpu.memref_slice %arg5[%dma_start3A_136, %dma_start3A_137] : memref<10000x128xf32, #tpu.memory_space<hbm>> -> memref<16x128xf32, #tpu.memory_space<hbm>>
          %dma_start3A_139 = arith.constant 9984 : i32
          %dma_start3A_140 = arith.constant 0 : i32
          %dma_start3A_141 = tpu.memref_slice %arg16[%dma_start3A_139, %dma_start3A_140] : memref<10240x128xf32, #tpu.memory_space<vmem_shared>> -> memref<16x128xf32, #tpu.memory_space<vmem_shared>>
          tpu.enqueue_dma source(%dma_start3A_141 : memref<16x128xf32, #tpu.memory_space<vmem_shared>>) target(%dma_start3A_138 : memref<16x128xf32, #tpu.memory_space<hbm>>) target_semaphore(%run_scoped3A_135 : memref<!tpu.dma_semaphore, #tpu.memory_space<semaphore_mem>>)
          %dma_wait3A_142 = arith.constant 9984 : i32
          %dma_wait3A_143 = arith.constant 0 : i32
          %dma_wait3A_144 = tpu.memref_slice %arg5[%dma_wait3A_142, %dma_wait3A_143] : memref<10000x128xf32, #tpu.memory_space<hbm>> -> memref<16x128xf32, #tpu.memory_space<hbm>>
          %dma_wait3A_145 = arith.constant 9984 : i32
          %dma_wait3A_146 = arith.constant 0 : i32
          %dma_wait3A_147 = tpu.memref_slice %arg16[%dma_wait3A_145, %dma_wait3A_146] : memref<10240x128xf32, #tpu.memory_space<vmem_shared>> -> memref<16x128xf32, #tpu.memory_space<vmem_shared>>
          tpu.wait_dma2 semaphore(%run_scoped3A_135 : memref<!tpu.dma_semaphore, #tpu.memory_space<semaphore_mem>>) src(%dma_wait3A_147 : memref<16x128xf32, #tpu.memory_space<vmem_shared>>) dst(%dma_wait3A_144 : memref<16x128xf32, #tpu.memory_space<hbm>>)
          tpu.yield
        }) : () -> ()
      } else {
      }
    } else {
    }
    %eq3A_121 = arith.constant 1 : i32
    %eq3A_122 = arith.cmpi eq, %arg0, %eq3A_121 : i32
    %convert_element_type3A_123 = arith.extui %eq3A_122 : i1 to i32
    %cond3A_124 = arith.constant 0 : i32
    %cond3A_125 = arith.cmpi ne, %convert_element_type3A_123, %cond3A_124 : i32
    scf.if %cond3A_125 {
      %mul3A_126 = arith.constant 624 : i32
      %mul3A_127 = arith.muli %arg1, %mul3A_126 : i32
      %mul3A_128 = arith.constant 624 : i32
      %mul3A_129 = arith.muli %arg1, %mul3A_128 : i32
      "tpu.region"() ({
        %run_scoped3A_135 = tpu.sem_alloc : memref<!tpu.dma_semaphore, #tpu.memory_space<semaphore_mem>>
        %dma_start3A_136 = arith.constant 0 : i32
        %dma_start3A_137 = tpu.memref_slice %arg6[%mul3A_129, %dma_start3A_136] : memref<10000x128xf32, #tpu.memory_space<hbm>> -> memref<624x128xf32, #tpu.memory_space<hbm>>
        %dma_start3A_138 = arith.constant 0 : i32
        %dma_start3A_139 = tpu.memref_slice %arg16[%mul3A_127, %dma_start3A_138] : memref<10240x128xf32, #tpu.memory_space<vmem_shared>> -> memref<624x128xf32, #tpu.memory_space<vmem_shared>>
        tpu.enqueue_dma source(%dma_start3A_139 : memref<624x128xf32, #tpu.memory_space<vmem_shared>>) target(%dma_start3A_137 : memref<624x128xf32, #tpu.memory_space<hbm>>) target_semaphore(%run_scoped3A_135 : memref<!tpu.dma_semaphore, #tpu.memory_space<semaphore_mem>>)
        %dma_wait3A_140 = arith.constant 0 : i32
        %dma_wait3A_141 = tpu.memref_slice %arg6[%mul3A_129, %dma_wait3A_140] : memref<10000x128xf32, #tpu.memory_space<hbm>> -> memref<624x128xf32, #tpu.memory_space<hbm>>
        %dma_wait3A_142 = arith.constant 0 : i32
        %dma_wait3A_143 = tpu.memref_slice %arg16[%mul3A_127, %dma_wait3A_142] : memref<10240x128xf32, #tpu.memory_space<vmem_shared>> -> memref<624x128xf32, #tpu.memory_space<vmem_shared>>
        tpu.wait_dma2 semaphore(%run_scoped3A_135 : memref<!tpu.dma_semaphore, #tpu.memory_space<semaphore_mem>>) src(%dma_wait3A_143 : memref<624x128xf32, #tpu.memory_space<vmem_shared>>) dst(%dma_wait3A_141 : memref<624x128xf32, #tpu.memory_space<hbm>>)
        tpu.yield
      }) : () -> ()
      %eq3A_130 = arith.constant 15 : i32
      %eq3A_131 = arith.cmpi eq, %arg1, %eq3A_130 : i32
      %convert_element_type3A_132 = arith.extui %eq3A_131 : i1 to i32
      %cond3A_133 = arith.constant 0 : i32
      %cond3A_134 = arith.cmpi ne, %convert_element_type3A_132, %cond3A_133 : i32
      scf.if %cond3A_134 {
        "tpu.region"() ({
          %run_scoped3A_135 = tpu.sem_alloc : memref<!tpu.dma_semaphore, #tpu.memory_space<semaphore_mem>>
          %dma_start3A_136 = arith.constant 9984 : i32
          %dma_start3A_137 = arith.constant 0 : i32
          %dma_start3A_138 = tpu.memref_slice %arg6[%dma_start3A_136, %dma_start3A_137] : memref<10000x128xf32, #tpu.memory_space<hbm>> -> memref<16x128xf32, #tpu.memory_space<hbm>>
          %dma_start3A_139 = arith.constant 9984 : i32
          %dma_start3A_140 = arith.constant 0 : i32
          %dma_start3A_141 = tpu.memref_slice %arg16[%dma_start3A_139, %dma_start3A_140] : memref<10240x128xf32, #tpu.memory_space<vmem_shared>> -> memref<16x128xf32, #tpu.memory_space<vmem_shared>>
          tpu.enqueue_dma source(%dma_start3A_141 : memref<16x128xf32, #tpu.memory_space<vmem_shared>>) target(%dma_start3A_138 : memref<16x128xf32, #tpu.memory_space<hbm>>) target_semaphore(%run_scoped3A_135 : memref<!tpu.dma_semaphore, #tpu.memory_space<semaphore_mem>>)
          %dma_wait3A_142 = arith.constant 9984 : i32
          %dma_wait3A_143 = arith.constant 0 : i32
          %dma_wait3A_144 = tpu.memref_slice %arg6[%dma_wait3A_142, %dma_wait3A_143] : memref<10000x128xf32, #tpu.memory_space<hbm>> -> memref<16x128xf32, #tpu.memory_space<hbm>>
          %dma_wait3A_145 = arith.constant 9984 : i32
          %dma_wait3A_146 = arith.constant 0 : i32
          %dma_wait3A_147 = tpu.memref_slice %arg16[%dma_wait3A_145, %dma_wait3A_146] : memref<10240x128xf32, #tpu.memory_space<vmem_shared>> -> memref<16x128xf32, #tpu.memory_space<vmem_shared>>
          tpu.wait_dma2 semaphore(%run_scoped3A_135 : memref<!tpu.dma_semaphore, #tpu.memory_space<semaphore_mem>>) src(%dma_wait3A_147 : memref<16x128xf32, #tpu.memory_space<vmem_shared>>) dst(%dma_wait3A_144 : memref<16x128xf32, #tpu.memory_space<hbm>>)
          tpu.yield
        }) : () -> ()
      } else {
      }
    } else {
    }
    return
  }
}

#map = affine_map<(d0, d1) -> (0, 0)>
module attributes {stable_mosaic.version = 14 : i64} {
  func.func @_sc_degree_body(%arg0: i32, %arg1: i32, %arg2: memref<32x5120xi32, #tpu.memory_space<hbm>>, %arg3: memref<32x10240xf32, #tpu.memory_space<hbm>>, %arg4: memref<5120xi32, #tpu.memory_space<vmem>>, %arg5: memref<10240xf32, #tpu.memory_space<vmem>>) attributes {dimension_semantics = [#tpu.dimension_semantics<core_parallel>, #tpu.dimension_semantics<subcore_parallel>], iteration_bounds = array<i64: 2, 16>, scalar_prefetch = 0 : i64, scratch_operands = 2 : i64, tpu.core_type = #tpu.core_type<sc_vector_subcore>, window_params = [{transform_indices = #map}, {transform_indices = #map}]} {
    %mul3A = arith.constant 2 : i32
    %mul3A_0 = arith.muli %arg1, %mul3A : i32
    %add3A = arith.addi %mul3A_0, %arg0 : i32
    %broadcast_in_dim3A = arith.constant 0.000000e+00 : f32
    %broadcast_in_dim3A_1 = vector.broadcast %broadcast_in_dim3A : f32 to vector<16xf32>
    %broadcast_in_dim3A_2 = arith.constant 1.000000e+00 : f32
    %broadcast_in_dim3A_3 = vector.broadcast %broadcast_in_dim3A_2 : f32 to vector<16xf32>
    %scan3A = arith.constant 0 : i32
    %scan3A_4 = arith.constant 640 : i32
    %scan3A_5 = arith.addi %scan3A, %scan3A_4 : i32
    %scan3A_6 = arith.constant 1 : i32
    scf.for %scan3A_13 = %scan3A to %scan3A_5 step %scan3A_6  : i32 {
      %mul3A_14 = arith.constant 16 : i32
      %mul3A_15 = arith.muli %scan3A_13, %mul3A_14 : i32
      %add3A_16 = arith.constant 0 : i32
      %add3A_17 = arith.addi %add3A_16, %mul3A_15 : i32
      %swap3A = arith.index_cast %add3A_17 : i32 to index
      %swap3A_18 = tpu.vector_load %arg5[%swap3A] {strides = array<i32>} : memref<10240xf32, #tpu.memory_space<vmem>>, vector<16xf32>,
      tpu.vector_store %arg5[%swap3A], %broadcast_in_dim3A_1 {strides = array<i32>} : memref<10240xf32, #tpu.memory_space<vmem>>, vector<16xf32>,
    }
    %scan3A_7 = arith.constant 640 : i32
    "tpu.region"() ({
      %run_scoped3A = tpu.sem_alloc : memref<!tpu.dma_semaphore, #tpu.memory_space<semaphore_mem>>
      %dma_start3A = arith.constant 0 : i32
      %dma_start3A_13 = tpu.memref_slice %arg2[%add3A, %dma_start3A] : memref<32x5120xi32, #tpu.memory_space<hbm>> -> memref<1x5120xi32, #tpu.memory_space<hbm>>
      %dma_start3A_14 = tpu.memref_squeeze %dma_start3A_13 : memref<1x5120xi32, #tpu.memory_space<hbm>> -> memref<5120xi32, #tpu.memory_space<hbm>>
      %dma_start3A_15 = arith.constant 0 : i32
      %dma_start3A_16 = tpu.memref_slice %arg2[%add3A, %dma_start3A_15] : memref<32x5120xi32, #tpu.memory_space<hbm>> -> memref<1x5120xi32, #tpu.memory_space<hbm>>
      %dma_start3A_17 = tpu.memref_squeeze %dma_start3A_16 : memref<1x5120xi32, #tpu.memory_space<hbm>> -> memref<5120xi32, #tpu.memory_space<hbm>>
      tpu.enqueue_dma source(%dma_start3A_17 : memref<5120xi32, #tpu.memory_space<hbm>>) target(%arg4 : memref<5120xi32, #tpu.memory_space<vmem>>) target_semaphore(%run_scoped3A : memref<!tpu.dma_semaphore, #tpu.memory_space<semaphore_mem>>)
      %dma_wait3A = arith.constant 0 : i32
      %dma_wait3A_18 = tpu.memref_slice %arg2[%add3A, %dma_wait3A] : memref<32x5120xi32, #tpu.memory_space<hbm>> -> memref<1x5120xi32, #tpu.memory_space<hbm>>
      %dma_wait3A_19 = tpu.memref_squeeze %dma_wait3A_18 : memref<1x5120xi32, #tpu.memory_space<hbm>> -> memref<5120xi32, #tpu.memory_space<hbm>>
      %dma_wait3A_20 = arith.constant 0 : i32
      %dma_wait3A_21 = tpu.memref_slice %arg2[%add3A, %dma_wait3A_20] : memref<32x5120xi32, #tpu.memory_space<hbm>> -> memref<1x5120xi32, #tpu.memory_space<hbm>>
      %dma_wait3A_22 = tpu.memref_squeeze %dma_wait3A_21 : memref<1x5120xi32, #tpu.memory_space<hbm>> -> memref<5120xi32, #tpu.memory_space<hbm>>
      tpu.wait_dma2 semaphore(%run_scoped3A : memref<!tpu.dma_semaphore, #tpu.memory_space<semaphore_mem>>) src(%dma_wait3A_22 : memref<5120xi32, #tpu.memory_space<hbm>>) dst(%arg4 : memref<5120xi32, #tpu.memory_space<vmem>>)
      tpu.yield
    }) : () -> ()
    %scan3A_8 = arith.constant 0 : i32
    %scan3A_9 = arith.constant 320 : i32
    %scan3A_10 = arith.addi %scan3A_8, %scan3A_9 : i32
    %scan3A_11 = arith.constant 1 : i32
    scf.for %scan3A_13 = %scan3A_8 to %scan3A_10 step %scan3A_11  : i32 {
      %mul3A_14 = arith.constant 16 : i32
      %mul3A_15 = arith.muli %scan3A_13, %mul3A_14 : i32
      %add3A_16 = arith.constant 0 : i32
      %add3A_17 = arith.addi %add3A_16, %mul3A_15 : i32
      %get3A = arith.index_cast %add3A_17 : i32 to index
      %get3A_18 = tpu.vector_load %arg4[%get3A] {strides = array<i32>} : memref<5120xi32, #tpu.memory_space<vmem>>, vector<16xi32>,
      tpu.vector_store_idx %arg5[%get3A_18], %broadcast_in_dim3A_3 {add = true} : memref<10240xf32, #tpu.memory_space<vmem>>[vector<16xi32>], vector<16xf32>,
    }
    %scan3A_12 = arith.constant 320 : i32
    "tpu.region"() ({
      %run_scoped3A = tpu.sem_alloc : memref<!tpu.dma_semaphore, #tpu.memory_space<semaphore_mem>>
      %dma_start3A = arith.constant 0 : i32
      %dma_start3A_13 = tpu.memref_slice %arg3[%add3A, %dma_start3A] : memref<32x10240xf32, #tpu.memory_space<hbm>> -> memref<1x10240xf32, #tpu.memory_space<hbm>>
      %dma_start3A_14 = tpu.memref_squeeze %dma_start3A_13 : memref<1x10240xf32, #tpu.memory_space<hbm>> -> memref<10240xf32, #tpu.memory_space<hbm>>
      %dma_start3A_15 = arith.constant 0 : i32
      %dma_start3A_16 = tpu.memref_slice %arg3[%add3A, %dma_start3A_15] : memref<32x10240xf32, #tpu.memory_space<hbm>> -> memref<1x10240xf32, #tpu.memory_space<hbm>>
      %dma_start3A_17 = tpu.memref_squeeze %dma_start3A_16 : memref<1x10240xf32, #tpu.memory_space<hbm>> -> memref<10240xf32, #tpu.memory_space<hbm>>
      tpu.enqueue_dma source(%arg5 : memref<10240xf32, #tpu.memory_space<vmem>>) target(%dma_start3A_17 : memref<10240xf32, #tpu.memory_space<hbm>>) target_semaphore(%run_scoped3A : memref<!tpu.dma_semaphore, #tpu.memory_space<semaphore_mem>>)
      %dma_wait3A = arith.constant 0 : i32
      %dma_wait3A_18 = tpu.memref_slice %arg3[%add3A, %dma_wait3A] : memref<32x10240xf32, #tpu.memory_space<hbm>> -> memref<1x10240xf32, #tpu.memory_space<hbm>>
      %dma_wait3A_19 = tpu.memref_squeeze %dma_wait3A_18 : memref<1x10240xf32, #tpu.memory_space<hbm>> -> memref<10240xf32, #tpu.memory_space<hbm>>
      %dma_wait3A_20 = arith.constant 0 : i32
      %dma_wait3A_21 = tpu.memref_slice %arg3[%add3A, %dma_wait3A_20] : memref<32x10240xf32, #tpu.memory_space<hbm>> -> memref<1x10240xf32, #tpu.memory_space<hbm>>
      %dma_wait3A_22 = tpu.memref_squeeze %dma_wait3A_21 : memref<1x10240xf32, #tpu.memory_space<hbm>> -> memref<10240xf32, #tpu.memory_space<hbm>>
      tpu.wait_dma2 semaphore(%run_scoped3A : memref<!tpu.dma_semaphore, #tpu.memory_space<semaphore_mem>>) src(%arg5 : memref<10240xf32, #tpu.memory_space<vmem>>) dst(%dma_wait3A_22 : memref<10240xf32, #tpu.memory_space<hbm>>)
      tpu.yield
    }) : () -> ()
    return
  }
}

module attributes {stable_mosaic.version = 14 : i64} {
  func.func @_mm1_body(%arg0: i32, %arg1: memref<1024x768xf32, #tpu.memory_space<vmem>>, %arg2: memref<768x128xf32, #tpu.memory_space<vmem>>, %arg3: memref<32x1024xf32, #tpu.memory_space<vmem>>, %arg4: memref<1024x128xf32, #tpu.memory_space<vmem>>) attributes {dimension_semantics = [#tpu.dimension_semantics<arbitrary>], iteration_bounds = array<i64: 10>, scalar_prefetch = 0 : i64, scratch_operands = 0 : i64, tpu.core_type = #tpu.core_type<tc>, window_params = [{transform_indices = @transform_0, window_bounds = array<i64: 1024, 768>}, {pipeline_mode = #tpu.pipeline_mode<synchronous>, transform_indices = @transform_1, window_bounds = array<i64: 768, 128>}, {transform_indices = @transform_2, window_bounds = array<i64: 32, 1024>}, {transform_indices = @transform_3, window_bounds = array<i64: 1024, 128>}]} {
    %get3A = arith.constant 0 : index
    %get3A_0 = arith.constant 0 : index
    %get3A_1 = vector.load %arg3[%get3A, %get3A_0] : memref<32x1024xf32, #tpu.memory_space<vmem>>, vector<32x1024xf32>
    %reduce_sum3A = arith.constant dense<0.000000e+00> : vector<1024xf32>
    %reduce_sum3A_2 = vector.multi_reduction <add>, %get3A_1, %reduce_sum3A [0] : vector<32x1024xf32> to vector<1024xf32>
    %add3A = arith.constant 1.000000e+00 : f32
    %add3A_3 = vector.broadcast %add3A : f32 to vector<1024xf32>
    %add3A_4 = arith.addf %reduce_sum3A_2, %add3A_3 : vector<1024xf32>
    %rsqrt3A = math.rsqrt %add3A_4 : vector<1024xf32>
    %get3A_5 = arith.constant 0 : index
    %get3A_6 = arith.constant 0 : index
    %get3A_7 = vector.load %arg1[%get3A_5, %get3A_6] : memref<1024x768xf32, #tpu.memory_space<vmem>>, vector<1024x768xf32>
    %get3A_8 = arith.constant 0 : index
    %get3A_9 = arith.constant 0 : index
    %get3A_10 = vector.load %arg2[%get3A_8, %get3A_9] : memref<768x128xf32, #tpu.memory_space<vmem>>, vector<768x128xf32>
    %dot_general3A = arith.constant dense<0.000000e+00> : vector<1024x128xf32>
    %dot_general3A_11 = tpu.matmul %get3A_7, %get3A_10, %dot_general3A {dimension_numbers = #tpu.dot_dimension_numbers<[1], [0], [0], [1], [0, 0, 1, 1], [], []>, transpose_lhs_hint = false} : vector<1024x768xf32>, vector<768x128xf32>, vector<1024x128xf32> -> vector<1024x128xf32>
    %broadcast_in_dim3A = vector.shape_cast %rsqrt3A : vector<1024xf32> to vector<1024x1xf32>
    %mul3A = vector.broadcast %broadcast_in_dim3A : vector<1024x1xf32> to vector<1024x128xf32>
    %mul3A_12 = arith.mulf %dot_general3A_11, %mul3A : vector<1024x128xf32>
    %swap3A = arith.constant 0 : index
    %swap3A_13 = arith.constant 0 : index
    %swap3A_14 = vector.load %arg4[%swap3A, %swap3A_13] : memref<1024x128xf32, #tpu.memory_space<vmem>>, vector<1024x128xf32>
    tpu.vector_store %arg4[%swap3A, %swap3A_13], %mul3A_12 {strides = array<i32>} : memref<1024x128xf32, #tpu.memory_space<vmem>>, vector<1024x128xf32>,
    return
  }
  func.func @transform_0(%arg0: i32) -> (i32, i32) {
    %c0_i32 = arith.constant 0 : i32
    %c0_i32_0 = arith.constant 0 : i32
    return %arg0, %c0_i32 : i32, i32
  }
  func.func @transform_1(%arg0: i32) -> (i32, i32) {
    %c0_i32 = arith.constant 0 : i32
    %c0_i32_0 = arith.constant 0 : i32
    %c0_i32_1 = arith.constant 0 : i32
    return %c0_i32, %c0_i32_0 : i32, i32
  }
  func.func @transform_2(%arg0: i32) -> (i32, i32) {
    %c0_i32 = arith.constant 0 : i32
    %c0_i32_0 = arith.constant 0 : i32
    return %c0_i32, %arg0 : i32, i32
  }
  func.func @transform_3(%arg0: i32) -> (i32, i32) {
    %c0_i32 = arith.constant 0 : i32
    %c0_i32_0 = arith.constant 0 : i32
    return %arg0, %c0_i32 : i32, i32
  }
}

module attributes {stable_mosaic.version = 14 : i64} {
  func.func @_epi_body(%arg0: i32, %arg1: memref<1024x128xf32, #tpu.memory_space<vmem>>, %arg2: memref<1024x128xf32, #tpu.memory_space<vmem>>, %arg3: memref<1024x128xf32, #tpu.memory_space<vmem>>, %arg4: memref<32x1024xf32, #tpu.memory_space<vmem>>, %arg5: memref<128x128xf32, #tpu.memory_space<vmem>>, %arg6: memref<1x128xf32, #tpu.memory_space<vmem>>, %arg7: memref<1x128xf32, #tpu.memory_space<vmem>>, %arg8: memref<1024x128xf32, #tpu.memory_space<vmem>>) attributes {dimension_semantics = [#tpu.dimension_semantics<arbitrary>], iteration_bounds = array<i64: 10>, scalar_prefetch = 0 : i64, scratch_operands = 0 : i64, tpu.core_type = #tpu.core_type<tc>, window_params = [{transform_indices = @transform_0, window_bounds = array<i64: 1024, 128>}, {transform_indices = @transform_1, window_bounds = array<i64: 1024, 128>}, {transform_indices = @transform_2, window_bounds = array<i64: 1024, 128>}, {transform_indices = @transform_3, window_bounds = array<i64: 32, 1024>}, {pipeline_mode = #tpu.pipeline_mode<synchronous>, transform_indices = @transform_4, window_bounds = array<i64: 128, 128>}, {pipeline_mode = #tpu.pipeline_mode<synchronous>, transform_indices = @transform_5, window_bounds = array<i64: 1, 128>}, {pipeline_mode = #tpu.pipeline_mode<synchronous>, transform_indices = @transform_6, window_bounds = array<i64: 1, 128>}, {transform_indices = @transform_7, window_bounds = array<i64: 1024, 128>}]} {
    %get3A = arith.constant 0 : index
    %get3A_0 = arith.constant 0 : index
    %get3A_1 = vector.load %arg4[%get3A, %get3A_0] : memref<32x1024xf32, #tpu.memory_space<vmem>>, vector<32x1024xf32>
    %reduce_sum3A = arith.constant dense<0.000000e+00> : vector<1024xf32>
    %reduce_sum3A_2 = vector.multi_reduction <add>, %get3A_1, %reduce_sum3A [0] : vector<32x1024xf32> to vector<1024xf32>
    %add3A = arith.constant 1.000000e+00 : f32
    %add3A_3 = vector.broadcast %add3A : f32 to vector<1024xf32>
    %add3A_4 = arith.addf %reduce_sum3A_2, %add3A_3 : vector<1024xf32>
    %rsqrt3A = math.rsqrt %add3A_4 : vector<1024xf32>
    %get3A_5 = arith.constant 0 : index
    %get3A_6 = arith.constant 0 : index
    %get3A_7 = vector.load %arg1[%get3A_5, %get3A_6] : memref<1024x128xf32, #tpu.memory_space<vmem>>, vector<1024x128xf32>
    %get3A_8 = arith.constant 0 : index
    %get3A_9 = arith.constant 0 : index
    %get3A_10 = vector.load %arg2[%get3A_8, %get3A_9] : memref<1024x128xf32, #tpu.memory_space<vmem>>, vector<1024x128xf32>
    %add3A_11 = arith.addf %get3A_7, %get3A_10 : vector<1024x128xf32>
    %get3A_12 = arith.constant 0 : index
    %get3A_13 = arith.constant 0 : index
    %get3A_14 = vector.load %arg3[%get3A_12, %get3A_13] : memref<1024x128xf32, #tpu.memory_space<vmem>>, vector<1024x128xf32>
    %add3A_15 = arith.addf %add3A_11, %get3A_14 : vector<1024x128xf32>
    %broadcast_in_dim3A = vector.shape_cast %rsqrt3A : vector<1024xf32> to vector<1024x1xf32>
    %mul3A = vector.broadcast %broadcast_in_dim3A : vector<1024x1xf32> to vector<1024x128xf32>
    %mul3A_16 = arith.mulf %add3A_15, %mul3A : vector<1024x128xf32>
    %get3A_17 = arith.constant 0 : index
    %get3A_18 = arith.constant 0 : index
    %get3A_19 = vector.load %arg6[%get3A_17, %get3A_18] : memref<1x128xf32, #tpu.memory_space<vmem>>, vector<1x128xf32>
    %add3A_20 = vector.broadcast %get3A_19 : vector<1x128xf32> to vector<1024x128xf32>
    %add3A_21 = arith.addf %mul3A_16, %add3A_20 : vector<1024x128xf32>
    %max3A = arith.constant 0.000000e+00 : f32
    %max3A_22 = vector.broadcast %max3A : f32 to vector<1024x128xf32>
    %max3A_23 = arith.maximumf %add3A_21, %max3A_22 : vector<1024x128xf32>
    %get3A_24 = arith.constant 0 : index
    %get3A_25 = arith.constant 0 : index
    %get3A_26 = vector.load %arg5[%get3A_24, %get3A_25] : memref<128x128xf32, #tpu.memory_space<vmem>>, vector<128x128xf32>
    %dot_general3A = arith.constant dense<0.000000e+00> : vector<1024x128xf32>
    %dot_general3A_27 = tpu.matmul %max3A_23, %get3A_26, %dot_general3A {dimension_numbers = #tpu.dot_dimension_numbers<[1], [0], [0], [1], [0, 0, 1, 1], [], []>, transpose_lhs_hint = false} : vector<1024x128xf32>, vector<128x128xf32>, vector<1024x128xf32> -> vector<1024x128xf32>
    %get3A_28 = arith.constant 0 : index
    %get3A_29 = arith.constant 0 : index
    %get3A_30 = vector.load %arg7[%get3A_28, %get3A_29] : memref<1x128xf32, #tpu.memory_space<vmem>>, vector<1x128xf32>
    %add3A_31 = vector.broadcast %get3A_30 : vector<1x128xf32> to vector<1024x128xf32>
    %add3A_32 = arith.addf %dot_general3A_27, %add3A_31 : vector<1024x128xf32>
    %reduce_max3A = arith.constant dense<0xFF800000> : vector<1024xf32>
    %reduce_max3A_33 = vector.multi_reduction <maximumf>, %add3A_32, %reduce_max3A [1] : vector<1024x128xf32> to vector<1024xf32>
    %broadcast_in_dim3A_34 = vector.shape_cast %reduce_max3A_33 : vector<1024xf32> to vector<1024x1xf32>
    %sub3A = vector.broadcast %broadcast_in_dim3A_34 : vector<1024x1xf32> to vector<1024x128xf32>
    %sub3A_35 = arith.subf %add3A_32, %sub3A : vector<1024x128xf32>
    %exp3A = math.exp %sub3A_35 : vector<1024x128xf32>
    %reduce_sum3A_36 = arith.constant dense<0.000000e+00> : vector<1024xf32>
    %reduce_sum3A_37 = vector.multi_reduction <add>, %exp3A, %reduce_sum3A_36 [1] : vector<1024x128xf32> to vector<1024xf32>
    %broadcast_in_dim3A_38 = vector.shape_cast %reduce_sum3A_37 : vector<1024xf32> to vector<1024x1xf32>
    %log3A = math.log %broadcast_in_dim3A_38 : vector<1024x1xf32>
    %add3A_39 = arith.addf %log3A, %broadcast_in_dim3A_34 : vector<1024x1xf32>
    %sub3A_40 = vector.broadcast %add3A_39 : vector<1024x1xf32> to vector<1024x128xf32>
    %sub3A_41 = arith.subf %add3A_32, %sub3A_40 : vector<1024x128xf32>
    %swap3A = arith.constant 0 : index
    %swap3A_42 = arith.constant 0 : index
    %swap3A_43 = vector.load %arg8[%swap3A, %swap3A_42] : memref<1024x128xf32, #tpu.memory_space<vmem>>, vector<1024x128xf32>
    tpu.vector_store %arg8[%swap3A, %swap3A_42], %sub3A_41 {strides = array<i32>} : memref<1024x128xf32, #tpu.memory_space<vmem>>, vector<1024x128xf32>,
    return
  }
  func.func @transform_0(%arg0: i32) -> (i32, i32) {
    %c0_i32 = arith.constant 0 : i32
    %c0_i32_0 = arith.constant 0 : i32
    return %arg0, %c0_i32 : i32, i32
  }
  func.func @transform_1(%arg0: i32) -> (i32, i32) {
    %c0_i32 = arith.constant 0 : i32
    %c0_i32_0 = arith.constant 0 : i32
    return %arg0, %c0_i32 : i32, i32
  }
  func.func @transform_2(%arg0: i32) -> (i32, i32) {
    %c0_i32 = arith.constant 0 : i32
    %c0_i32_0 = arith.constant 0 : i32
    return %arg0, %c0_i32 : i32, i32
  }
  func.func @transform_3(%arg0: i32) -> (i32, i32) {
    %c0_i32 = arith.constant 0 : i32
    %c0_i32_0 = arith.constant 0 : i32
    return %c0_i32, %arg0 : i32, i32
  }
  func.func @transform_4(%arg0: i32) -> (i32, i32) {
    %c0_i32 = arith.constant 0 : i32
    %c0_i32_0 = arith.constant 0 : i32
    %c0_i32_1 = arith.constant 0 : i32
    return %c0_i32, %c0_i32_0 : i32, i32
  }
  func.func @transform_5(%arg0: i32) -> (i32, i32) {
    %c0_i32 = arith.constant 0 : i32
    %c0_i32_0 = arith.constant 0 : i32
    %c0_i32_1 = arith.constant 0 : i32
    return %c0_i32, %c0_i32_0 : i32, i32
  }
  func.func @transform_6(%arg0: i32) -> (i32, i32) {
    %c0_i32 = arith.constant 0 : i32
    %c0_i32_0 = arith.constant 0 : i32
    %c0_i32_1 = arith.constant 0 : i32
    return %c0_i32, %c0_i32_0 : i32, i32
  }
  func.func @transform_7(%arg0: i32) -> (i32, i32) {
    %c0_i32 = arith.constant 0 : i32
    %c0_i32_0 = arith.constant 0 : i32
    return %arg0, %c0_i32 : i32, i32
  }
}

</mosaic_0001>

<sc_bundles>
// kernel: kernel.6.cloned.1.call-start
scs
__scs_entry_jumppad:
0x0: {  	(pc) =	sbr.rel $0x88, $3  }
0x1: {  	(tag) =	ssettag $0x0;
	lr =	simm.s32 $0x1  }
0x2: {  	[smem:$0x3F9B] =	sst lr;
	_ =	strace $0xD0000000  }
0x3: {  	_ = 	snop  }
0x4: {  	_ = 	snop  }
0x5: {  	_ = 	snop  }
0x6: {  	_ = 	snop  }
0x7: {  	_ = 	snop  }
__scs_overlays_trampoline_lowered:
0x8: {  	[smem:$0x3FAA] =	sst s0  }
0x9: {  	[smem:$0x3FAB] =	sst s1  }
0xa: {  	[smem:$0x3FAC] =	sst s2  }
0xb: {  	[smem:$0x3FAD] =	sst s3  }
0xc: {  	[smem:$0x3FAE] =	sst s4  }
0xd: {  	[smem:$0x3FAF] =	sst s5  }
0xe: {  	[smem:$0x3FB0] =	sst s6  }
0xf: {  	[smem:$0x3FB1] =	sst s7  }
0x10: {  	[smem:$0x3FB2] =	sst s8  }
0x11: {  	[smem:$0x3FB3] =	sst s9;
	s0 =	simm.s32 @!p0 $0x0  }
0x12: {  	s1 =	sld [smem:$0x3F99];
	s0 =	simm.s32 @p0 $0x1  }
0x13: {  	[smem:$0x3FB4] =	sst s0;
	s0 =	simm.s32 @!p1 $0x0  }
0x14: {  	s2 =	sld [smem:$0x3F98];
	s0 =	simm.s32 @p1 $0x1  }
0x15: {  	[smem:$0x3FB5] =	sst s0;
	s0 =	simm.s32 @!p2 $0x0  }
0x16: {  	s3 =	sld [smem:$0x3FDB];
	s0 =	simm.s32 @p2 $0x1  }
0x17: {  	s4 =	simm.s32 $0x1BF5;
	[smem:$0x3FB7] =	sst s0  }
0x18: {  	s0 =	sld [smem:$0x3F9A];
	_ =	swait.ge [sflag:s4], $0x0  }
0x19: {  	s7 =	sld [smem:$0x3F9B]  }
0x1a: {  	s8 =	sadd.s32 $0xFFFFE003, lr  }
0x1b: {  	s9 =	sadd.s32 $0xFFFFFEF7, lr;
	s5 =	simm.s32 $0xFFFFFFFF;
	p2 =	slt.u32 s8, $0xFFFFF086  }
0x1c: {  	p1 =	slt.u32 s9, $0xF7A;
	s5 =	simm.s32 @!p2 $0x0  }
0x1d: {  	s5 =	simm.s32 @p1 $0x1;
	p0 =	seq.s32 s7, s2  }
0x1e: {  	s7 =	smul.u32 @!p0 $0xF7A, s2;
	p2 =	seq.s32 @!p0 s5, $0x0  }
0x1f: {  	s9 =	smul.u32 $0xF7A, s1;
	s8 =	simm.s32 @!p0 $0x1BF5;
	p2 =	por !p2, p0  }
0x20: {  	[sflag:s8] =	ssyncset.s32 @!p0 $0xFFFFF086;
	s6 =	sadd.s32 @!p0 s3, s7;
	s7 =	simm.s32 @!p0 $0x108  }
0x21: {  	s3 =	sadd.s32 s3, s9;
	s6 =	sadd.s32 @!p0 $0x88, s6;
	s7 =	simm.s32 @p2 $0x1082  }
0x22: {  	[simem:s7], [sflag:s8] =	dma.local @!p0 [hbm:s6], $0xF7A  }
0x23: {  	s9 =	sor.u32 $0xD0000000, s2;
	s6 =	simm.s32 $0x108;
	_ =	swait.ge @!p0 [sflag:s8], $0x0  }
0x24: {  	s3 =	sadd.s32 $0x88, s3;
	s6 =	simm.s32 @!p1 $0x1082;
	[sflag:s4] =	ssyncset.s32 $0xFFFFF086  }
0x25: {  	[simem:s6], [sflag:s4] =	dma.local [hbm:s3], $0xF7A  }
0x26: {  	[smem:$0x3F9B] =	sst s1;
	(tag) =	ssettag s2;
	_ =	strace s9  }
0x27: {  	s1 =	sld [smem:$0x3FAB]  }
0x28: {  	s2 =	sld [smem:$0x3FAC]  }
0x29: {  	s4 =	sld [smem:$0x3FAE]  }
0x2a: {  	p0 =	seq.s32 s5, $0x0;
	s5 =	sld [smem:$0x3FAF]  }
0x2b: {  	s6 =	sld [smem:$0x3FB0]  }
0x2c: {  	s7 =	sld [smem:$0x3FB1]  }
0x2d: {  	s3 =	simm.s32 $0x108;
	s8 =	sld [smem:$0x3FB2]  }
0x2e: {  	s3 =	simm.s32 @!p0 $0x1082;
	s9 =	sld [smem:$0x3FB3]  }
0x2f: {  	lr =	sadd.s32 s0, s3;
	s0 =	sld [smem:$0x3FAA]  }
0x30: {  	s3 =	sld [smem:$0x3FAD]  }
0x31: {  	[smem:$0x3FB6] =	sst s10  }
0x32: {  	s10 =	sld [smem:$0x3FB4];
	_ =	sdelay $0x3  }
0x33: {  	p0 =	seq.s32 s10, $0x1;
	s10 =	sld [smem:$0x3FB6];
	_ =	sdelay $0x3  }
0x34: {  	[smem:$0x3FB6] =	sst s10  }
0x35: {  	s10 =	sld [smem:$0x3FB5];
	_ =	sdelay $0x3  }
0x36: {  	p1 =	seq.s32 s10, $0x1;
	s10 =	sld [smem:$0x3FB6];
	_ =	sdelay $0x3  }
0x37: {  	[smem:$0x3FB6] =	sst s10  }
0x38: {  	s10 =	sld [smem:$0x3FB7]  }
0x39: {  	_ = 	snop;
	(pc) =	sbr.ind lr, $3  }
0x3a: {  	_ = 	snop  }
0x3b: {  	_ = 	snop  }
0x3c: {  	p2 =	seq.s32 s10, $0x1;
	s10 =	sld [smem:$0x3FB6]  }
0x3d: {  	_ =	shalt  }
0x3e: {  	_ =	shalt  }
0x3f: {  	_ =	shalt  }
0x40: {  	_ =	shalt  }
0x41: {  	_ =	shalt  }
0x42: {  	_ =	shalt  }
0x43: {  	_ =	shalt  }
0x44: {  	_ =	shalt  }
0x45: {  	_ =	shalt  }
0x46: {  	_ =	shalt  }
0x47: {  	_ =	shalt  }
0x48: {  	_ =	shalt  }
0x49: {  	_ =	shalt  }
0x4a: {  	_ =	shalt  }
0x4b: {  	_ =	shalt  }
0x4c: {  	_ =	shalt  }
0x4d: {  	_ =	shalt  }
0x4e: {  	_ =	shalt  }
0x4f: {  	_ =	shalt  }
0x50: {  	_ =	shalt  }
0x51: {  	_ =	shalt  }
0x52: {  	_ =	shalt  }
0x53: {  	_ =	shalt  }
0x54: {  	_ =	shalt  }
0x55: {  	_ =	shalt  }
0x56: {  	_ =	shalt  }
0x57: {  	_ =	shalt  }
0x58: {  	_ =	shalt  }
0x59: {  	_ =	shalt  }
0x5a: {  	_ =	shalt  }
0x5b: {  	_ =	shalt  }
0x5c: {  	_ =	shalt  }
0x5d: {  	_ =	shalt  }
0x5e: {  	_ =	shalt  }
0x5f: {  	_ =	shalt  }
0x60: {  	_ =	shalt  }
0x61: {  	_ =	shalt  }
0x62: {  	_ =	shalt  }
0x63: {  	_ =	shalt  }
0x64: {  	_ =	shalt  }
0x65: {  	_ =	shalt  }
0x66: {  	_ =	shalt  }
0x67: {  	_ =	shalt  }
0x68: {  	_ =	shalt  }
0x69: {  	_ =	shalt  }
0x6a: {  	_ =	shalt  }
0x6b: {  	_ =	shalt  }
0x6c: {  	_ =	shalt  }
0x6d: {  	_ =	shalt  }
0x6e: {  	_ =	shalt  }
0x6f: {  	_ =	shalt  }
0x70: {  	_ =	shalt  }
0x71: {  	_ =	shalt  }
0x72: {  	_ =	shalt  }
0x73: {  	_ =	shalt  }
0x74: {  	_ =	shalt  }
0x75: {  	_ =	shalt  }
0x76: {  	_ =	shalt  }
0x77: {  	_ =	shalt  }
0x78: {  	_ =	shalt  }
0x79: {  	_ =	shalt  }
0x7a: {  	_ =	shalt  }
0x7b: {  	_ =	shalt  }
0x7c: {  	_ =	shalt  }
0x7d: {  	_ =	shalt  }
0x7e: {  	_ =	shalt  }
0x7f: {  	_ =	shalt  }
0x80: {  	_ =	shalt  }
0x81: {  	_ =	shalt  }
0x82: {  	_ =	shalt  }
0x83: {  	_ =	shalt  }
0x84: {  	_ =	shalt  }
0x85: {  	_ =	shalt  }
0x86: {  	_ =	shalt  }
0x87: {  	_ =	shalt  }
.Lfunc_end0:
.L_simem_size_0:
called_computation_lowered:
.L_overlay_start_0:
0x88: {  	s2 =	sld [smem:$0x3FD9]  }
0x89: {  	s3 =	sld [smem:$0x3FFE];
	_ =	sdelay $0x1  }
0x8a: {  	s1 =	srdreg.scid  }
0x8b: {  	s0 =	sand.u32 $0x1, s1  }
0x8c: {  	s17 =	sshll.u32 s0, $0xA;
	s2 =	sadd.s32 s3, s2  }
0x8d: {  	s2 =	sadd.s32 s2, s17  }
0x8e: {  	[smem:$0x3FC2] =	sst s2  }
0x8f: {  	_ = 	snop  }
0x90: {  	s2 =	sld [smem:$0x3FD0];
	(tm) =	ssettm $0x1  }
0x91: {  	s18 =	sld [smem:$0x3FFB];
	_ =	sdelay $0x3  }
0x92: {  	_ =	strace s18  }
0x93: {  	s3 =	sld [smem:$0x3FFC];
	_ =	sdelay $0x3  }
0x94: {  	_ =	strace s3  }
0x95: {  	s3 =	sld [smem:$0x3FFD];
	_ =	sdelay $0x3  }
0x96: {  	_ =	strace s3  }
0x97: {  	_ =	strace $0x8FFFFFFF  }
0x98: {  	s19 =	sld [smem:$0x3FDB];
	_ =	sdelay $0x1  }
0x99: {  	s4 =	simm.s32 $_scs_section_size  }
0x9a: {  	s5 =	simm.s32 $_size__tile_overlayer_lowered;
	s6 =	simm.s32 $_tile_overlayer_lowered  }
0x9b: {  	s22 =	simm.s32 $0x1BFF;
	s21 =	sshll.u32 s6, $0x1;
	s3 =	sadd.s32 s4, s19  }
0x9c: {  	s7 =	simm.s32 $0x0;
	s20 =	sshll.u32 s5, $0x1;
	s5 =	sadd.s32 s21, s3  }
0x9d: {  	[timem:s7], [sflag:s22] =	dma.local [hbm:s5], s20  }
0x9e: {  	_ =	swait.ge [sflag:s22], s20  }
0x9f: {  	s4 =	ssub.s32 $0x0, s20;
	[sflag:s22] =	ssyncset.done $0x0  }
0xa0: {  	[sflag:s22] =	ssyncadd.s32 s4;
	_ =	sdelay $0x1  }
0xa1: {  	s23 =	simm.s32 $0x1B8B  }
0xa2: {  	_ =	swait.ge [sflag:s23], $0x1  }
0xa3: {  	[sflag:s23] =	ssyncset.done $0x0  }
0xa4: {  	s25 =	simm.s32 $0x1B8E;
	s24 =	sld [smem:$0x3FFE];
	[sflag:s23] =	ssyncadd.s32 $0xFFFFFFFF  }
0xa5: {  	s26 =	simm.s32 $execute0_lowered;
	[smem:$0x3FD2] =	sst s25  }
0xa6: {  	s5 =	sshll.u32 s26, $0x1;
	_ =	strace $0x80000046;
	[dreg:$0x1] =	wrdreg $0xFFFFFFFF  }
0xa7: {  	s28 =	simm.s32 $_size_execute0_lowered;
	s3 =	sadd.s32 s3, s5;
	[dreg:$0x0] =	wrdreg $0x0  }
0xa8: {  	s5 =	sshll.u32 s28, $0x1;
	[dreg:$0x2] =	wrdreg s3  }
0xa9: {  	[dreg:$0x3] =	wrdreg s5  }
0xaa: {  	[dreg:$0x4] =	wrdreg $0xC0  }
0xab: {  	_ =	task [dreg:s7], $0x5FFFF  }
0xac: {  	[dreg:$0x1] =	wrdreg $0xFFFFFFFF  }
0xad: {  	[dreg:$0x0] =	wrdreg $0x60  }
0xae: {  	[dreg:$0x2] =	wrdreg s24  }
0xaf: {  	[dreg:$0x3] =	wrdreg s2  }
0xb0: {  	[dreg:$0x4] =	wrdreg $0x9  }
0xb1: {  	_ =	task.clear_ibuf [dreg:s7], $0x5FFFF;
	_ =	strace $0x90000046  }
0xb2: {  	s29 =	simm.s32 $0x9;
	_ =	strace $0x80000048  }
0xb3: {  	_ =	swait.ge [sflag:s29], $0x1  }
0xb4: {  	[sflag:s29] =	ssyncadd.s32 $0xFFFFFFFF  }
0xb5: {  	_ =	strace $0x90000048  }
0xb6: {  	_ =	sfence  }
0xb7: {  	s30 =	sld [smem:$0x0];
	_ =	sdelay $0x2  }
0xb8: {  	s31 =	sshll.u32 s1, $0xD;
	s1 =	sshrl.u32 s1, $0x2  }
0xb9: {  	s3 =	sand.u32 $0x4000, s31;
	s1 =	sadd.s32 s1, s30  }
0xba: {  	s0 =	sor.u32 s3, s0;
	s1 =	sshll.u32 s1, $0x11  }
0xbb: {  	s0 =	sor.u32 s1, s0  }
0xbc: {  	s0 =	sadd.s32 $0x8F2B, s0  }
0xbd: {  	[sflag:s0] =	ssyncadd.remote.s32 $0x1  }
0xbe: {  	_ =	sfence.sel $0xFFFF  }
0xbf: {  	[dreg:$0x0] =	wrdreg $0xFFFFFFFF;
	(pc) =	sbr.abs _section_cstart, $3  }
0xc0: {  	[dreg:$0x1] =	wrdreg $0xFFFFFFFF  }
0xc1: {  	_ =	task.clear_ibuf [dreg:s7], $0x2FFFF;
	_ =	strace $0x9FFFFFFF  }
0xc2: {  	(tm) =	ssettm $0x7FFFFFFF  }
0xc3: {  	_ =	shalt  }
tec
execute0_lowered:
.L_overlay_start_1:
0x0: {  	(tag) =	ssettag $0x1  }
0x1: {  	s3 =	rddreg [dreg:$0x0]  }
0x2: {  	s4 =	rddreg [dreg:$0x1]  }
0x3: {  	s1 =	srdreg.scid;
	s0 =	stileid.u32  }
0x4: {  	s2 =	simm.s32 $0x0;
	s5 =	sand.u32 $0x1, s1;
	s1 =	rddreg [dreg:$0x2]  }
0x5: {  	s6 =	sshrl.u32 s0, $0x2;
	s30 =	sshll.u32 s0, $0x8;
	[smem:$0x7FF] =	sst s2  }
0x6: {  	s7 =	sshll.u32 s5, $0x7;
	s8 =	sand.u32 $0x300, s30;
	s9 =	smul.u32 $0xA000, s6  }
0x7: {  	s6 =	smul.u32 $0x14000, s6;
	s5 =	ssub.s32 $0x2, s5;
	s7 =	sor.u32 s7, s8  }
0x8: {  	_ =	strace $0x80000047;
	s31 =	sshrl.u32 s5, $0x1;
	s8 =	sor.u32 s9, s7  }
0x9: {  	s6 =	sor.u32 s6, s7;
	s5 =	ssub.s32 s5, s31;
	s7 =	simm.s32 $0x400  }
0xa: {  	s9 =	simm.s32 $0x1400;
	s8 =	sshrl.u32 s8, $0x3;
	s6 =	sshrl.u32 s6, $0x3  }
0xb: {  	s5 =	smax.u32 s5, $0x1;
	s3 =	sadd.s32 s8, s3;
	s4 =	sadd.s32 s4, s6  }
0xc: {  	v0 =	vimm.f32 $0.0e+00;
	v1 =	vimm.f32 $1.000000000e+00;
	s6 =	simm.s32 $0x80;
	s8 =	simm.s32 $0x1;
	s3 =	sadd.s32 $0x1600, s3  }
.LBB2_1:
0xd: {  	s10 =	simm.s32 $0x40;
	s11 =	simm.s32 $0x0  }
.LBB2_2:
0xe: {  	p0 =	sne.s32 s10, $0x9FC0;
	[tilespmem:s11+$0x1400] =	vst v0;
	s11 =	smov.u32 s10;
	s10 =	sadd.s32 $0x40, s10  }
.Ltmp0:
0xf: {  	(pc) =	sbr.rel @p0 .LBB2_2-.Ltmp0, $2  }
0x10: {  	_ =	sdelay $0x2  }
0x11: {  	s11 =	sshra.s32 s11, $0x2  }
0x12: {  	[tilespmem:s11+$0x1400] =	vst v0;
	s10 =	simm.s32 $0x0  }
0x13: {  	[tilespmem:s10], [sflag:$0x1] =	stream.strided.gather [hbm4b:s3+s6], $0x1400, s7, s6, $0x38;
	[tilespmem:$0x3C00] =	vst v63  }
0x14: {  	_ =	swait.ge [sflag:s8], $0x1400  }
0x15: {  	[sflag:s8] =	ssyncset.done $0x0  }
0x16: {  	s11 =	simm.s32 $0x0;
	s10 =	simm.s32 $0x40;
	[sflag:s8] =	ssyncadd.s32 $0xFFFFEC00  }
.LBB2_4:
0x17: {  	p0 =	sne.s32 s10, $0x4FC0;
	v2 =	vld [tilespmem:s11+$0x0];
	_ =	sdelay $0x3  }
.Ltmp1:
0x18: {  	(pc) =	sbr.rel @p0 .LBB2_4-.Ltmp1, $2  }
0x19: {  	_ =	sdelay $0x2  }
0x1a: {  	s11 =	sshra.s32 s10, $0x2;
	s10 =	sadd.s32 $0x40, s10;
	[tilespmem:v2+s9+$0x0] =	vst.idx.add.f32.msk $0xffff, v1  }
0x1b: {  	v2 =	vld [tilespmem:s11+$0x0];
	_ =	sdelay $0x5  }
0x1c: {  	s2 =	sadd.s32 $0x1, s2  }
0x1d: {  	p0 =	sne.s32 s2, s5  }
.Ltmp2:
0x1e: {  	[tilespmem:v2+s9+$0x0] =	vst.idx.add.f32.msk $0xffff, v1;
	(pc) =	sbr.rel @p0 .LBB2_1-.Ltmp2, $4  }
0x1f: {  	[hbm4b:s4+s6] =	stream.strided.scatter [tilespmem:s9], [sflag:$0x1], $0x2800, s7, s6, $0x38;
	[tilespmem:$0x3C00] =	vst v63  }
0x20: {  	_ =	swait.ge [sflag:s8], $0x2800  }
0x21: {  	[sflag:s8] =	ssyncset.done $0x0  }
0x22: {  	[sflag:s8] =	ssyncadd.s32 $0xFFFFD800  }
0x23: {  	_ =	sfence.sel $0x180000  }
0x24: {  	[bflag:$0x0] =	sbarrier.arrive $0xFFFF  }
0x25: {  	p0 =	sne.s32 s0, $0x0;
	_ =	strace $0x90000047  }
0x26: {  	s0 =	sadd.s32 @!p0 $0x100000, s1;
	[bflag:$0x2] =	sbarrier.arrive $0xFFFF  }
0x27: {  	[sflag:s0] =	ssyncadd.tile.s32 @!p0 $0x1;
	_ =	shalt  }
.Lfunc_end2:
_tile_overlayer_lowered:
.L_overlay_start_2:
0x28: {  	(tag) =	ssettag $0x2  }
0x29: {  	s0 =	rddreg [dreg:$0x0];
	s2 =	stileid.u32  }
0x2a: {  	s1 =	rddreg [dreg:$0x1];
	p0 =	sne.s32 s2, $0x0  }
0x2b: {  	s3 =	rddreg [dreg:$0x2];
	[bflag:$0x3] =	sbarrier.arrive $0xFFFF;
	s2 =	simm.s32 @!p0 $0x1C01  }
0x2c: {  	[timem:s3], [sflag:s2] =	dma.local @!p0 [hbm:s0], s1  }
0x2d: {  	s0 =	simm.s32 @!p0 $0x1  }
0x2e: {  	_ =	swait.ge @!p0 [sflag:s0], s1  }
0x2f: {  	s1 =	ssub.s32 @!p0 $0x0, s1;
	[sflag:s0] =	ssyncset.done @!p0 $0x0  }
0x30: {  	[sflag:s0] =	ssyncadd.s32 @!p0 s1  }
0x31: {  	[bflag:$0x3] =	sbarrier.arrive $0xFFFF  }
0x32: {  	_ =	shalt  }

// kernel: kernel.9.cloned.1.call-start
scs
__scs_entry_jumppad:
0x0: {  	(pc) =	sbr.rel $0x88, $3  }
0x1: {  	(tag) =	ssettag $0x0;
	lr =	simm.s32 $0x1  }
0x2: {  	[smem:$0x3F9B] =	sst lr;
	_ =	strace $0xD0000000  }
0x3: {  	_ = 	snop  }
0x4: {  	_ = 	snop  }
0x5: {  	_ = 	snop  }
0x6: {  	_ = 	snop  }
0x7: {  	_ = 	snop  }
__scs_overlays_trampoline_lowered:
0x8: {  	[smem:$0x3FAA] =	sst s0  }
0x9: {  	[smem:$0x3FAB] =	sst s1  }
0xa: {  	[smem:$0x3FAC] =	sst s2  }
0xb: {  	[smem:$0x3FAD] =	sst s3  }
0xc: {  	[smem:$0x3FAE] =	sst s4  }
0xd: {  	[smem:$0x3FAF] =	sst s5  }
0xe: {  	[smem:$0x3FB0] =	sst s6  }
0xf: {  	[smem:$0x3FB1] =	sst s7  }
0x10: {  	[smem:$0x3FB2] =	sst s8  }
0x11: {  	[smem:$0x3FB3] =	sst s9;
	s0 =	simm.s32 @!p0 $0x0  }
0x12: {  	s1 =	sld [smem:$0x3F99];
	s0 =	simm.s32 @p0 $0x1  }
0x13: {  	[smem:$0x3FB4] =	sst s0;
	s0 =	simm.s32 @!p1 $0x0  }
0x14: {  	s2 =	sld [smem:$0x3F98];
	s0 =	simm.s32 @p1 $0x1  }
0x15: {  	[smem:$0x3FB5] =	sst s0;
	s0 =	simm.s32 @!p2 $0x0  }
0x16: {  	s3 =	sld [smem:$0x3FDB];
	s0 =	simm.s32 @p2 $0x1  }
0x17: {  	s4 =	simm.s32 $0x1BF5;
	[smem:$0x3FB7] =	sst s0  }
0x18: {  	s0 =	sld [smem:$0x3F9A];
	_ =	swait.ge [sflag:s4], $0x0  }
0x19: {  	s7 =	sld [smem:$0x3F9B]  }
0x1a: {  	s8 =	sadd.s32 $0xFFFFE003, lr  }
0x1b: {  	s9 =	sadd.s32 $0xFFFFFEF7, lr;
	s5 =	simm.s32 $0xFFFFFFFF;
	p2 =	slt.u32 s8, $0xFFFFF086  }
0x1c: {  	p1 =	slt.u32 s9, $0xF7A;
	s5 =	simm.s32 @!p2 $0x0  }
0x1d: {  	s5 =	simm.s32 @p1 $0x1;
	p0 =	seq.s32 s7, s2  }
0x1e: {  	s7 =	smul.u32 @!p0 $0xF7A, s2;
	p2 =	seq.s32 @!p0 s5, $0x0  }
0x1f: {  	s9 =	smul.u32 $0xF7A, s1;
	s8 =	simm.s32 @!p0 $0x1BF5;
	p2 =	por !p2, p0  }
0x20: {  	[sflag:s8] =	ssyncset.s32 @!p0 $0xFFFFF086;
	s6 =	sadd.s32 @!p0 s3, s7;
	s7 =	simm.s32 @!p0 $0x108  }
0x21: {  	s3 =	sadd.s32 s3, s9;
	s6 =	sadd.s32 @!p0 $0x88, s6;
	s7 =	simm.s32 @p2 $0x1082  }
0x22: {  	[simem:s7], [sflag:s8] =	dma.local @!p0 [hbm:s6], $0xF7A  }
0x23: {  	s9 =	sor.u32 $0xD0000000, s2;
	s6 =	simm.s32 $0x108;
	_ =	swait.ge @!p0 [sflag:s8], $0x0  }
0x24: {  	s3 =	sadd.s32 $0x88, s3;
	s6 =	simm.s32 @!p1 $0x1082;
	[sflag:s4] =	ssyncset.s32 $0xFFFFF086  }
0x25: {  	[simem:s6], [sflag:s4] =	dma.local [hbm:s3], $0xF7A  }
0x26: {  	[smem:$0x3F9B] =	sst s1;
	(tag) =	ssettag s2;
	_ =	strace s9  }
0x27: {  	s1 =	sld [smem:$0x3FAB]  }
0x28: {  	s2 =	sld [smem:$0x3FAC]  }
0x29: {  	s4 =	sld [smem:$0x3FAE]  }
0x2a: {  	p0 =	seq.s32 s5, $0x0;
	s5 =	sld [smem:$0x3FAF]  }
0x2b: {  	s6 =	sld [smem:$0x3FB0]  }
0x2c: {  	s7 =	sld [smem:$0x3FB1]  }
0x2d: {  	s3 =	simm.s32 $0x108;
	s8 =	sld [smem:$0x3FB2]  }
0x2e: {  	s3 =	simm.s32 @!p0 $0x1082;
	s9 =	sld [smem:$0x3FB3]  }
0x2f: {  	lr =	sadd.s32 s0, s3;
	s0 =	sld [smem:$0x3FAA]  }
0x30: {  	s3 =	sld [smem:$0x3FAD]  }
0x31: {  	[smem:$0x3FB6] =	sst s10  }
0x32: {  	s10 =	sld [smem:$0x3FB4];
	_ =	sdelay $0x3  }
0x33: {  	p0 =	seq.s32 s10, $0x1;
	s10 =	sld [smem:$0x3FB6];
	_ =	sdelay $0x3  }
0x34: {  	[smem:$0x3FB6] =	sst s10  }
0x35: {  	s10 =	sld [smem:$0x3FB5];
	_ =	sdelay $0x3  }
0x36: {  	p1 =	seq.s32 s10, $0x1;
	s10 =	sld [smem:$0x3FB6];
	_ =	sdelay $0x3  }
0x37: {  	[smem:$0x3FB6] =	sst s10  }
0x38: {  	s10 =	sld [smem:$0x3FB7]  }
0x39: {  	_ = 	snop;
	(pc) =	sbr.ind lr, $3  }
0x3a: {  	_ = 	snop  }
0x3b: {  	_ = 	snop  }
0x3c: {  	p2 =	seq.s32 s10, $0x1;
	s10 =	sld [smem:$0x3FB6]  }
0x3d: {  	_ =	shalt  }
0x3e: {  	_ =	shalt  }
0x3f: {  	_ =	shalt  }
0x40: {  	_ =	shalt  }
0x41: {  	_ =	shalt  }
0x42: {  	_ =	shalt  }
0x43: {  	_ =	shalt  }
0x44: {  	_ =	shalt  }
0x45: {  	_ =	shalt  }
0x46: {  	_ =	shalt  }
0x47: {  	_ =	shalt  }
0x48: {  	_ =	shalt  }
0x49: {  	_ =	shalt  }
0x4a: {  	_ =	shalt  }
0x4b: {  	_ =	shalt  }
0x4c: {  	_ =	shalt  }
0x4d: {  	_ =	shalt  }
0x4e: {  	_ =	shalt  }
0x4f: {  	_ =	shalt  }
0x50: {  	_ =	shalt  }
0x51: {  	_ =	shalt  }
0x52: {  	_ =	shalt  }
0x53: {  	_ =	shalt  }
0x54: {  	_ =	shalt  }
0x55: {  	_ =	shalt  }
0x56: {  	_ =	shalt  }
0x57: {  	_ =	shalt  }
0x58: {  	_ =	shalt  }
0x59: {  	_ =	shalt  }
0x5a: {  	_ =	shalt  }
0x5b: {  	_ =	shalt  }
0x5c: {  	_ =	shalt  }
0x5d: {  	_ =	shalt  }
0x5e: {  	_ =	shalt  }
0x5f: {  	_ =	shalt  }
0x60: {  	_ =	shalt  }
0x61: {  	_ =	shalt  }
0x62: {  	_ =	shalt  }
0x63: {  	_ =	shalt  }
0x64: {  	_ =	shalt  }
0x65: {  	_ =	shalt  }
0x66: {  	_ =	shalt  }
0x67: {  	_ =	shalt  }
0x68: {  	_ =	shalt  }
0x69: {  	_ =	shalt  }
0x6a: {  	_ =	shalt  }
0x6b: {  	_ =	shalt  }
0x6c: {  	_ =	shalt  }
0x6d: {  	_ =	shalt  }
0x6e: {  	_ =	shalt  }
0x6f: {  	_ =	shalt  }
0x70: {  	_ =	shalt  }
0x71: {  	_ =	shalt  }
0x72: {  	_ =	shalt  }
0x73: {  	_ =	shalt  }
0x74: {  	_ =	shalt  }
0x75: {  	_ =	shalt  }
0x76: {  	_ =	shalt  }
0x77: {  	_ =	shalt  }
0x78: {  	_ =	shalt  }
0x79: {  	_ =	shalt  }
0x7a: {  	_ =	shalt  }
0x7b: {  	_ =	shalt  }
0x7c: {  	_ =	shalt  }
0x7d: {  	_ =	shalt  }
0x7e: {  	_ =	shalt  }
0x7f: {  	_ =	shalt  }
0x80: {  	_ =	shalt  }
0x81: {  	_ =	shalt  }
0x82: {  	_ =	shalt  }
0x83: {  	_ =	shalt  }
0x84: {  	_ =	shalt  }
0x85: {  	_ =	shalt  }
0x86: {  	_ =	shalt  }
0x87: {  	_ =	shalt  }
.Lfunc_end0:
.L_simem_size_0:
called_computation.1_lowered:
.L_overlay_start_0:
0x88: {  	s2 =	sld [smem:$0x3FD9]  }
0x89: {  	s3 =	sld [smem:$0x3FFE];
	_ =	sdelay $0x1  }
0x8a: {  	s1 =	srdreg.scid  }
0x8b: {  	s0 =	sand.u32 $0x1, s1  }
0x8c: {  	s17 =	sshll.u32 s0, $0xA;
	s2 =	sadd.s32 s3, s2  }
0x8d: {  	s2 =	sadd.s32 s2, s17  }
0x8e: {  	[smem:$0x3FC2] =	sst s2  }
0x8f: {  	_ = 	snop  }
0x90: {  	s2 =	sld [smem:$0x3FD0];
	(tm) =	ssettm $0x1  }
0x91: {  	s18 =	sld [smem:$0x3FFB];
	_ =	sdelay $0x3  }
0x92: {  	_ =	strace s18  }
0x93: {  	s3 =	sld [smem:$0x3FFC];
	_ =	sdelay $0x3  }
0x94: {  	_ =	strace s3  }
0x95: {  	s3 =	sld [smem:$0x3FFD];
	_ =	sdelay $0x3  }
0x96: {  	_ =	strace s3  }
0x97: {  	_ =	strace $0x8FFFFFFF  }
0x98: {  	s19 =	sld [smem:$0x3FDB];
	_ =	sdelay $0x1  }
0x99: {  	s4 =	simm.s32 $_scs_section_size  }
0x9a: {  	s5 =	simm.s32 $_size__tile_overlayer_lowered;
	s6 =	simm.s32 $_tile_overlayer_lowered  }
0x9b: {  	s22 =	simm.s32 $0x1BFF;
	s21 =	sshll.u32 s6, $0x1;
	s3 =	sadd.s32 s4, s19  }
0x9c: {  	s7 =	simm.s32 $0x0;
	s20 =	sshll.u32 s5, $0x1;
	s5 =	sadd.s32 s21, s3  }
0x9d: {  	[timem:s7], [sflag:s22] =	dma.local [hbm:s5], s20  }
0x9e: {  	_ =	swait.ge [sflag:s22], s20  }
0x9f: {  	s4 =	ssub.s32 $0x0, s20;
	[sflag:s22] =	ssyncset.done $0x0  }
0xa0: {  	[sflag:s22] =	ssyncadd.s32 s4;
	_ =	sdelay $0x1  }
0xa1: {  	s23 =	simm.s32 $0x1B8B  }
0xa2: {  	_ =	swait.ge [sflag:s23], $0x1  }
0xa3: {  	[sflag:s23] =	ssyncset.done $0x0  }
0xa4: {  	s25 =	simm.s32 $0x1B8E;
	s24 =	sld [smem:$0x3FFE];
	[sflag:s23] =	ssyncadd.s32 $0xFFFFFFFF  }
0xa5: {  	s26 =	simm.s32 $execute0_lowered;
	[smem:$0x3FD2] =	sst s25  }
0xa6: {  	s5 =	sshll.u32 s26, $0x1;
	_ =	strace $0x80000049;
	[dreg:$0x1] =	wrdreg $0xFFFFFFFF  }
0xa7: {  	s28 =	simm.s32 $_size_execute0_lowered;
	s3 =	sadd.s32 s3, s5;
	[dreg:$0x0] =	wrdreg $0x0  }
0xa8: {  	s5 =	sshll.u32 s28, $0x1;
	[dreg:$0x2] =	wrdreg s3  }
0xa9: {  	[dreg:$0x3] =	wrdreg s5  }
0xaa: {  	[dreg:$0x4] =	wrdreg $0xC0  }
0xab: {  	_ =	task [dreg:s7], $0x5FFFF  }
0xac: {  	[dreg:$0x1] =	wrdreg $0xFFFFFFFF  }
0xad: {  	[dreg:$0x0] =	wrdreg $0x60  }
0xae: {  	[dreg:$0x2] =	wrdreg s2  }
0xaf: {  	[dreg:$0x3] =	wrdreg s24  }
0xb0: {  	[dreg:$0x4] =	wrdreg $0xB0000  }
0xb1: {  	[dreg:$0x5] =	wrdreg $0x9  }
0xb2: {  	_ =	task.clear_ibuf [dreg:s7], $0x6FFFF;
	_ =	strace $0x90000049  }
0xb3: {  	s29 =	simm.s32 $0x9;
	_ =	strace $0x8000004B  }
0xb4: {  	_ =	swait.ge [sflag:s29], $0x1  }
0xb5: {  	[sflag:s29] =	ssyncadd.s32 $0xFFFFFFFF  }
0xb6: {  	_ =	strace $0x9000004B  }
0xb7: {  	_ =	sfence  }
0xb8: {  	s30 =	sld [smem:$0x0];
	_ =	sdelay $0x2  }
0xb9: {  	s31 =	sshll.u32 s1, $0xD;
	s1 =	sshrl.u32 s1, $0x2  }
0xba: {  	s3 =	sand.u32 $0x4000, s31;
	s1 =	sadd.s32 s1, s30  }
0xbb: {  	s0 =	sor.u32 s3, s0;
	s1 =	sshll.u32 s1, $0x11  }
0xbc: {  	s0 =	sor.u32 s1, s0  }
0xbd: {  	s0 =	sadd.s32 $0x8F2B, s0  }
0xbe: {  	[sflag:s0] =	ssyncadd.remote.s32 $0x1  }
0xbf: {  	_ =	sfence.sel $0xFFFF  }
0xc0: {  	[dreg:$0x0] =	wrdreg $0xFFFFFFFF;
	(pc) =	sbr.abs _section_cstart, $3  }
0xc1: {  	[dreg:$0x1] =	wrdreg $0xFFFFFFFF  }
0xc2: {  	_ =	task.clear_ibuf [dreg:s7], $0x2FFFF;
	_ =	strace $0x9FFFFFFF  }
0xc3: {  	(tm) =	ssettm $0x7FFFFFFF  }
tec
execute0_lowered:
.L_overlay_start_1:
0x0: {  	(tag) =	ssettag $0x1  }
0x1: {  	s1 =	rddreg [dreg:$0x0]  }
0x2: {  	s0 =	rddreg [dreg:$0x1]  }
0x3: {  	s2 =	srdreg.scid;
	s12 =	stileid.u32  }
0x4: {  	s3 =	rddreg [dreg:$0x2];
	s4 =	simm.s32 $0x0;
	s28 =	simm.s32 $0x40  }
0x5: {  	s30 =	simm.s32 $0x7000;
	s29 =	simm.s32 $0x0;
	s2 =	sand.u32 $0x1, s2  }
0x6: {  	s5 =	sshll.u32 s12, $0x1;
	[smem:$0x7FF] =	sst s4;
	s9 =	smul.u32 $0x50000, s12  }
0x7: {  	s13 =	sadd.s32 $0x1A600, s0;
	s14 =	sadd.s32 $0x41800, s0;
	s21 =	smul.u32 $0x4E000, s12  }
0x8: {  	s11 =	smul.u32 $0x2700, s12;
	s25 =	sadd.s32 $0x138000, s3;
	p1 =	sne.s32 s12, $0xF  }
0x9: {  	p2 =	seq.s32 s12, $0xF;
	s12 =	simm.s32 $0x2;
	s5 =	sor.u32 s2, s5  }
0xa: {  	_ =	strace $0x8000004A;
	s6 =	ssub.s32 $0x2, s2;
	[dreg:$0x4] =	wrdreg s13  }
0xb: {  	p0 =	seq.s32 s2, $0x1;
	[dreg:$0x5] =	wrdreg s14;
	s31 =	sshrl.u32 s25, $0x3  }
0xc: {  	s2 =	simm.s32 $0x9000;
	s5 =	smul.u32 $0x500, s5;
	s20 =	sshrl.u32 s6, $0x1  }
0xd: {  	s22 =	sshrl.u32 s9, $0x2;
	s23 =	sshrl.u32 s21, $0x2;
	s24 =	sadd.s32 s13, s11  }
0xe: {  	s26 =	sadd.s32 s14, s11;
	[dreg:$0x8] =	wrdreg s31;
	s11 =	simm.s32 $0x1  }
0xf: {  	s9 =	sadd.s32 s22, s3;
	s10 =	sadd.s32 s23, s3;
	[dreg:$0x6] =	wrdreg s24  }
0x10: {  	[dreg:$0x7] =	wrdreg s26;
	s23 =	simm.s32 $0x4;
	s26 =	simm.s32 $0x5000  }
0x11: {  	s24 =	simm.s32 $0x3;
	s5 =	sadd.s32 s5, s0;
	s0 =	ssub.s32 s6, s20  }
.Ltmp0:
0x12: {  	s14 =	sadd.s32 $0x2000, s9;
	s15 =	sadd.s32 $0x4000, s9;
	(pc) =	sbr.rel .LBB2_1-.Ltmp0, $4  }
0x13: {  	s16 =	sadd.s32 $0x6000, s9;
	s17 =	sadd.s32 $0x8000, s9;
	s18 =	sadd.s32 $0xA000, s9  }
0x14: {  	s19 =	sadd.s32 $0xC000, s9;
	s20 =	sadd.s32 $0xE000, s9;
	s21 =	sadd.s32 $0x10000, s9  }
0x15: {  	s22 =	sadd.s32 $0x12000, s9;
	s6 =	simm.s32 $0x4F80;
	s7 =	sadd.s32 $0x10600, s5  }
0x16: {  	v0 =	vimm.f32 $0.0e+00;
	s8 =	sadd.s32 $0x6600, s5;
	s13 =	smax.u32 s0, $0x1;
	s5 =	simm.s32 $0x2780  }
.LBB2_8:
0x17: {  	s25 =	sadd.s32 $0x27000, s25;
	s31 =	rddreg [dreg:$0x8]  }
0x18: {  	[hbm:s25], [sflag:s0] =	dma.local [spmem:s31], $0x100  }
0x19: {  	_ =	swait.ge [sflag:s23], $0x100  }
0x1a: {  	[sflag:s23] =	ssyncset.done $0x0  }
0x1b: {  	[sflag:s23] =	ssyncadd.s32 $0xFFFFFF00  }
.LBB2_9:
0x1c: {  	s29 =	sadd.s32 $0x1, s29  }
0x1d: {  	p3 =	sne.s32 s29, s13  }
.Ltmp1:
0x1e: {  	_ = 	snop;
	(pc) =	sbr.rel @!p3 .LBB2_10-.Ltmp1, $1  }
0x1f: {  	_ =	sdelay $0x3  }
.LBB2_1:
0x20: {  	[tilespmem:s4], [sflag:$0x4] =	stream.linear.gather [hbm4b:s7+s4], $0x2800, $0x38;
	[tilespmem:$0x1F000] =	vst v63  }
0x21: {  	_ =	swait.ge [sflag:s23], $0x2800  }
0x22: {  	[sflag:s23] =	ssyncset.done $0x0  }
0x23: {  	s0 =	simm.s32 $0x2800;
	[sflag:s23] =	ssyncadd.s32 $0xFFFFD800  }
0x24: {  	[tilespmem:s0], [sflag:$0x4] =	stream.linear.gather [hbm4b:s8+s4], $0x2800, $0x38;
	[tilespmem:$0x1F000] =	vst v63  }
0x25: {  	_ =	swait.ge [sflag:s23], $0x2800  }
0x26: {  	[sflag:s23] =	ssyncset.done $0x0  }
0x27: {  	s31 =	simm.s32 $0x200;
	s0 =	simm.s32 $0x0;
	[sflag:s23] =	ssyncadd.s32 $0xFFFFD800  }
.LBB2_2:
0x28: {  	p3 =	sne.s32 s31, $0x7E00;
	[tilespmem:s0+$0x5070] =	vst v0  }
0x29: {  	[tilespmem:s0+$0x5000] =	vst v0  }
0x2a: {  	[tilespmem:s0+$0x5010] =	vst v0  }
.Ltmp2:
0x2b: {  	[tilespmem:s0+$0x5020] =	vst v0;
	(pc) =	sbr.rel @p3 .LBB2_2-.Ltmp2, $4  }
0x2c: {  	[tilespmem:s0+$0x5030] =	vst v0  }
0x2d: {  	[tilespmem:s0+$0x5040] =	vst v0  }
0x2e: {  	[tilespmem:s0+$0x5050] =	vst v0  }
0x2f: {  	[tilespmem:s0+$0x5060] =	vst v0;
	s0 =	sshra.s32 s31, $0x2;
	s31 =	sadd.s32 $0x200, s31  }
0x30: {  	[tilespmem:s0+$0x5070] =	vst v0  }
0x31: {  	[tilespmem:s0+$0x5000] =	vst v0  }
0x32: {  	[tilespmem:s0+$0x5010] =	vst v0  }
0x33: {  	[tilespmem:s0+$0x5020] =	vst v0  }
0x34: {  	[tilespmem:s0+$0x5030] =	vst v0  }
0x35: {  	[tilespmem:s0+$0x5040] =	vst v0  }
0x36: {  	[tilespmem:s0+$0x5050] =	vst v0  }
0x37: {  	[tilespmem:s0+$0x5060] =	vst v0  }
0x38: {  	[spmem:s9] =	stream.linear.scatter [tilespmem:s26], [sflag:$0x4], $0x2000, $0x38;
	[tilespmem:$0x1F000] =	vst v63  }
0x39: {  	_ =	swait.ge [sflag:s23], $0x2000  }
0x3a: {  	[sflag:s23] =	ssyncset.done $0x0  }
0x3b: {  	[sflag:s23] =	ssyncadd.s32 $0xFFFFE000  }
0x3c: {  	[spmem:s14] =	stream.linear.scatter [tilespmem:s26], [sflag:$0x4], $0x2000, $0x38;
	[tilespmem:$0x1F000] =	vst v63  }
0x3d: {  	_ =	swait.ge [sflag:s23], $0x2000  }
0x3e: {  	[sflag:s23] =	ssyncset.done $0x0  }
0x3f: {  	[sflag:s23] =	ssyncadd.s32 $0xFFFFE000  }
0x40: {  	[spmem:s15] =	stream.linear.scatter [tilespmem:s26], [sflag:$0x4], $0x2000, $0x38;
	[tilespmem:$0x1F000] =	vst v63  }
0x41: {  	_ =	swait.ge [sflag:s23], $0x2000  }
0x42: {  	[sflag:s23] =	ssyncset.done $0x0  }
0x43: {  	[sflag:s23] =	ssyncadd.s32 $0xFFFFE000  }
0x44: {  	[spmem:s16] =	stream.linear.scatter [tilespmem:s26], [sflag:$0x4], $0x2000, $0x38;
	[tilespmem:$0x1F000] =	vst v63  }
0x45: {  	_ =	swait.ge [sflag:s23], $0x2000  }
0x46: {  	[sflag:s23] =	ssyncset.done $0x0  }
0x47: {  	[sflag:s23] =	ssyncadd.s32 $0xFFFFE000  }
0x48: {  	[spmem:s17] =	stream.linear.scatter [tilespmem:s26], [sflag:$0x4], $0x2000, $0x38;
	[tilespmem:$0x1F000] =	vst v63  }
0x49: {  	_ =	swait.ge [sflag:s23], $0x2000  }
0x4a: {  	[sflag:s23] =	ssyncset.done $0x0  }
0x4b: {  	[sflag:s23] =	ssyncadd.s32 $0xFFFFE000  }
0x4c: {  	[spmem:s18] =	stream.linear.scatter [tilespmem:s26], [sflag:$0x4], $0x2000, $0x38;
	[tilespmem:$0x1F000] =	vst v63  }
0x4d: {  	_ =	swait.ge [sflag:s23], $0x2000  }
0x4e: {  	[sflag:s23] =	ssyncset.done $0x0  }
0x4f: {  	[sflag:s23] =	ssyncadd.s32 $0xFFFFE000  }
0x50: {  	[spmem:s19] =	stream.linear.scatter [tilespmem:s26], [sflag:$0x4], $0x2000, $0x38;
	[tilespmem:$0x1F000] =	vst v63  }
0x51: {  	_ =	swait.ge [sflag:s23], $0x2000  }
0x52: {  	[sflag:s23] =	ssyncset.done $0x0  }
0x53: {  	[sflag:s23] =	ssyncadd.s32 $0xFFFFE000  }
0x54: {  	[spmem:s20] =	stream.linear.scatter [tilespmem:s26], [sflag:$0x4], $0x2000, $0x38;
	[tilespmem:$0x1F000] =	vst v63  }
0x55: {  	_ =	swait.ge [sflag:s23], $0x2000  }
0x56: {  	[sflag:s23] =	ssyncset.done $0x0  }
0x57: {  	[sflag:s23] =	ssyncadd.s32 $0xFFFFE000  }
0x58: {  	[spmem:s21] =	stream.linear.scatter [tilespmem:s26], [sflag:$0x4], $0x2000, $0x38;
	[tilespmem:$0x1F000] =	vst v63  }
0x59: {  	_ =	swait.ge [sflag:s23], $0x2000  }
0x5a: {  	[sflag:s23] =	ssyncset.done $0x0  }
0x5b: {  	[sflag:s23] =	ssyncadd.s32 $0xFFFFE000  }
0x5c: {  	[spmem:s22] =	stream.linear.scatter [tilespmem:s26], [sflag:$0x4], $0x2000, $0x38;
	[tilespmem:$0x1F000] =	vst v63  }
0x5d: {  	_ =	swait.ge [sflag:s23], $0x2000  }
0x5e: {  	[sflag:s23] =	ssyncset.done $0x0  }
0x5f: {  	[sflag:s23] =	ssyncadd.s32 $0xFFFFE000  }
0x60: {  	s25 =	simm.s32 $0x0;
	[bflag:$0x0] =	sbarrier.arrive $0xFFFF  }
0x61: {  	[tilespmem:s26], [sflag:$0x1] =	stream.indirect.gather [hbm4b:s1+s28], $0x80, s25, s28, $0xb8;
	[tilespmem:$0x1F000] =	vst v63  }
0x62: {  	s31 =	simm.s32 $0x80  }
0x63: {  	[tilespmem:s30], [sflag:$0x2] =	stream.indirect.gather [hbm4b:s1+s28], $0x80, s31, s28, $0xb8;
	[tilespmem:$0x1F000] =	vst v63  }
0x64: {  	s25 =	simm.s32 $0x100  }
0x65: {  	[tilespmem:s2], [sflag:$0x3] =	stream.indirect.gather [hbm4b:s1+s28], $0x80, s25, s28, $0xb8;
	[tilespmem:$0x1F000] =	vst v63  }
0x66: {  	_ =	swait.ge [sflag:s11], $0x2000  }
0x67: {  	[sflag:s11] =	ssyncset.done $0x0  }
0x68: {  	s31 =	simm.s32 $0x2800;
	[sflag:s11] =	ssyncadd.s32 $0xFFFFE000  }
0x69: {  	[spmem:s3] =	stream.indirect.scatter.add.f32 [tilespmem:s26], [sflag:$0x4], $0x80, s31, s28, $0xb8;
	[tilespmem:$0x1F000] =	vst v63  }
0x6a: {  	_ =	swait.ge [sflag:s23], $0x2000  }
0x6b: {  	[sflag:s23] =	ssyncset.done $0x0  }
0x6c: {  	s25 =	simm.s32 $0x180;
	[sflag:s23] =	ssyncadd.s32 $0xFFFFE000  }
0x6d: {  	[tilespmem:s26], [sflag:$0x1] =	stream.indirect.gather [hbm4b:s1+s28], $0x80, s25, s28, $0xb8;
	[tilespmem:$0x1F000] =	vst v63  }
0x6e: {  	_ =	swait.ge [sflag:s12], $0x2000  }
0x6f: {  	[sflag:s12] =	ssyncset.done $0x0  }
0x70: {  	s31 =	simm.s32 $0x2880;
	[sflag:s12] =	ssyncadd.s32 $0xFFFFE000  }
0x71: {  	[spmem:s3] =	stream.indirect.scatter.add.f32 [tilespmem:s30], [sflag:$0x4], $0x80, s31, s28, $0xb8;
	[tilespmem:$0x1F000] =	vst v63  }
0x72: {  	_ =	swait.ge [sflag:s23], $0x2000  }
0x73: {  	[sflag:s23] =	ssyncset.done $0x0  }
0x74: {  	s25 =	simm.s32 $0x200;
	[sflag:s23] =	ssyncadd.s32 $0xFFFFE000  }
0x75: {  	[tilespmem:s30], [sflag:$0x2] =	stream.indirect.gather [hbm4b:s1+s28], $0x80, s25, s28, $0xb8;
	[tilespmem:$0x1F000] =	vst v63  }
0x76: {  	_ =	swait.ge [sflag:s24], $0x2000  }
0x77: {  	[sflag:s24] =	ssyncset.done $0x0  }
0x78: {  	s31 =	simm.s32 $0x2900;
	[sflag:s24] =	ssyncadd.s32 $0xFFFFE000  }
0x79: {  	[spmem:s3] =	stream.indirect.scatter.add.f32 [tilespmem:s2], [sflag:$0x4], $0x80, s31, s28, $0xb8;
	[tilespmem:$0x1F000] =	vst v63  }
0x7a: {  	_ =	swait.ge [sflag:s23], $0x2000  }
0x7b: {  	[sflag:s23] =	ssyncset.done $0x0  }
0x7c: {  	s0 =	simm.s32 $0x600;
	s25 =	simm.s32 $0x280;
	[sflag:s23] =	ssyncadd.s32 $0xFFFFE000  }
.LBB2_4:
0x7d: {  	[tilespmem:s2], [sflag:$0x3] =	stream.indirect.gather [hbm4b:s1+s28], $0x80, s25, s28, $0xb8;
	[tilespmem:$0x1F000] =	vst v63  }
0x7e: {  	s25 =	smov.u32 s0  }
0x7f: {  	p3 =	sne.s32 s0, $0x9000;
	s0 =	sadd.s32 $0x600, s0;
	_ =	swait.ge [sflag:s11], $0x2000  }
0x80: {  	s25 =	sshra.s32 s25, $0x2;
	[sflag:s11] =	ssyncset.done $0x0  }
0x81: {  	s31 =	sadd.s32 $0x2800, s25;
	[sflag:s11] =	ssyncadd.s32 $0xFFFFE000  }
0x82: {  	[spmem:s3] =	stream.indirect.scatter.add.f32 [tilespmem:s26], [sflag:$0x4], $0x80, s31, s28, $0xb8;
	[tilespmem:$0x1F000] =	vst v63  }
0x83: {  	_ =	swait.ge [sflag:s23], $0x2000  }
0x84: {  	[sflag:s23] =	ssyncset.done $0x0  }
0x85: {  	s31 =	sadd.s32 $0x180, s25;
	[sflag:s23] =	ssyncadd.s32 $0xFFFFE000  }
0x86: {  	[tilespmem:s26], [sflag:$0x1] =	stream.indirect.gather [hbm4b:s1+s28], $0x80, s31, s28, $0xb8;
	[tilespmem:$0x1F000] =	vst v63  }
0x87: {  	_ =	swait.ge [sflag:s12], $0x2000  }
0x88: {  	[sflag:s12] =	ssyncset.done $0x0  }
0x89: {  	s31 =	sadd.s32 $0x2880, s25;
	[sflag:s12] =	ssyncadd.s32 $0xFFFFE000  }
0x8a: {  	[spmem:s3] =	stream.indirect.scatter.add.f32 [tilespmem:s30], [sflag:$0x4], $0x80, s31, s28, $0xb8;
	[tilespmem:$0x1F000] =	vst v63  }
0x8b: {  	_ =	swait.ge [sflag:s23], $0x2000  }
0x8c: {  	[sflag:s23] =	ssyncset.done $0x0  }
0x8d: {  	s31 =	sadd.s32 $0x200, s25;
	[sflag:s23] =	ssyncadd.s32 $0xFFFFE000  }
0x8e: {  	[tilespmem:s30], [sflag:$0x2] =	stream.indirect.gather [hbm4b:s1+s28], $0x80, s31, s28, $0xb8;
	[tilespmem:$0x1F000] =	vst v63  }
0x8f: {  	_ =	swait.ge [sflag:s24], $0x2000  }
0x90: {  	[sflag:s24] =	ssyncset.done $0x0  }
.Ltmp3:
0x91: {  	s31 =	sadd.s32 $0x2900, s25;
	[sflag:s24] =	ssyncadd.s32 $0xFFFFE000;
	(pc) =	sbr.rel @p3 .LBB2_4-.Ltmp3, $4  }
0x92: {  	[spmem:s3] =	stream.indirect.scatter.add.f32 [tilespmem:s2], [sflag:$0x4], $0x80, s31, s28, $0xb8;
	[tilespmem:$0x1F000] =	vst v63  }
0x93: {  	_ =	swait.ge [sflag:s23], $0x2000  }
0x94: {  	[sflag:s23] =	ssyncset.done $0x0  }
0x95: {  	s25 =	sadd.s32 $0x280, s25;
	[sflag:s23] =	ssyncadd.s32 $0xFFFFE000  }
0x96: {  	[tilespmem:s2], [sflag:$0x3] =	stream.indirect.gather [hbm4b:s1+s28], $0x80, s25, s28, $0xb8;
	[tilespmem:$0x1F000] =	vst v63  }
0x97: {  	_ =	swait.ge [sflag:s11], $0x2000  }
0x98: {  	[sflag:s11] =	ssyncset.done $0x0  }
0x99: {  	s0 =	simm.s32 $0x4D80;
	[sflag:s11] =	ssyncadd.s32 $0xFFFFE000  }
0x9a: {  	[spmem:s3] =	stream.indirect.scatter.add.f32 [tilespmem:s26], [sflag:$0x4], $0x80, s0, s28, $0xb8;
	[tilespmem:$0x1F000] =	vst v63  }
0x9b: {  	_ =	swait.ge [sflag:s23], $0x2000  }
0x9c: {  	[sflag:s23] =	ssyncset.done $0x0  }
0x9d: {  	[sflag:s23] =	ssyncadd.s32 $0xFFFFE000  }
0x9e: {  	_ =	swait.ge [sflag:s12], $0x2000  }
0x9f: {  	[sflag:s12] =	ssyncset.done $0x0  }
0xa0: {  	s25 =	simm.s32 $0x4E00;
	[sflag:s12] =	ssyncadd.s32 $0xFFFFE000  }
0xa1: {  	[spmem:s3] =	stream.indirect.scatter.add.f32 [tilespmem:s30], [sflag:$0x4], $0x80, s25, s28, $0xb8;
	[tilespmem:$0x1F000] =	vst v63  }
0xa2: {  	_ =	swait.ge [sflag:s23], $0x2000  }
0xa3: {  	[sflag:s23] =	ssyncset.done $0x0  }
0xa4: {  	[sflag:s23] =	ssyncadd.s32 $0xFFFFE000  }
0xa5: {  	_ =	swait.ge [sflag:s24], $0x2000  }
0xa6: {  	[sflag:s24] =	ssyncset.done $0x0  }
0xa7: {  	s25 =	simm.s32 $0x4E80;
	[sflag:s24] =	ssyncadd.s32 $0xFFFFE000  }
0xa8: {  	[spmem:s3] =	stream.indirect.scatter.add.f32 [tilespmem:s2], [sflag:$0x4], $0x80, s25, s28, $0xb8;
	[tilespmem:$0x1F000] =	vst v63  }
0xa9: {  	_ =	swait.ge [sflag:s23], $0x2000  }
0xaa: {  	[sflag:s23] =	ssyncset.done $0x0  }
0xab: {  	s25 =	simm.s32 $0x2700;
	[sflag:s23] =	ssyncadd.s32 $0xFFFFE000  }
0xac: {  	[tilespmem:s26], [sflag:$0x1] =	stream.indirect.gather [hbm4b:s1+s28], $0x80, s25, s28, $0xb8;
	[tilespmem:$0x1F000] =	vst v63  }
0xad: {  	_ =	swait.ge [sflag:s11], $0x2000  }
0xae: {  	[sflag:s11] =	ssyncset.done $0x0  }
0xaf: {  	s25 =	simm.s32 $0x4F00;
	[sflag:s11] =	ssyncadd.s32 $0xFFFFE000  }
0xb0: {  	[spmem:s3] =	stream.indirect.scatter.add.f32 [tilespmem:s26], [sflag:$0x4], $0x80, s25, s28, $0xb8;
	[tilespmem:$0x1F000] =	vst v63  }
0xb1: {  	_ =	swait.ge [sflag:s23], $0x2000  }
0xb2: {  	[sflag:s23] =	ssyncset.done $0x0  }
0xb3: {  	[sflag:s23] =	ssyncadd.s32 $0xFFFFE000  }
0xb4: {  	[tilespmem:s30], [sflag:$0x2] =	stream.indirect.gather [hbm4b:s1+s28], $0x80, s5, s28, $0xb8;
	[tilespmem:$0x1F000] =	vst v63  }
0xb5: {  	_ =	swait.ge [sflag:s12], $0x2000  }
0xb6: {  	[sflag:s12] =	ssyncset.done $0x0  }
0xb7: {  	[sflag:s12] =	ssyncadd.s32 $0xFFFFE000  }
0xb8: {  	[spmem:s3] =	stream.indirect.scatter.add.f32 [tilespmem:s30], [sflag:$0x4], $0x80, s6, s28, $0xb8;
	[tilespmem:$0x1F000] =	vst v63  }
.Ltmp4:
0xb9: {  	_ =	swait.ge [sflag:s23], $0x2000;
	(pc) =	sbr.rel @!p0 .LBB2_6-.Ltmp4, $4  }
0xba: {  	[sflag:s23] =	ssyncset.done $0x0  }
0xbb: {  	s25 =	stileid.u32;
	[sflag:s23] =	ssyncadd.s32 $0xFFFFE000  }
0xbc: {  	s25 =	sshll.u32 s25, $0x6;
	[bflag:$0x0] =	sbarrier.arrive $0xFFFF  }
0xbd: {  	s31 =	sshrl.u32 s10, $0x3;
	s0 =	sor.u32 $0x1C04, s25  }
0xbe: {  	s0 =	sor.u32 $0x1C04, s25;
	s25 =	rddreg [dreg:$0x7]  }
0xbf: {  	[hbm:s25], [sflag:s0] =	dma.local [spmem:s31], $0x2700  }
.Ltmp5:
0xc0: {  	_ = 	snop;
	(pc) =	sbr.rel @p1 .LBB2_9-.Ltmp5, $4  }
.Ltmp6:
0xc1: {  	_ = 	snop;
	(pc) =	sbr.rel @!p1 .LBB2_8-.Ltmp6, $4  }
0xc2: {  	_ =	swait.ge [sflag:s23], $0x2700  }
0xc3: {  	[sflag:s23] =	ssyncset.done $0x0  }
0xc4: {  	s25 =	rddreg [dreg:$0x5];
	[sflag:s23] =	ssyncadd.s32 $0xFFFFD900  }
0xc5: {  	_ = 	snop  }
.LBB2_6:
0xc6: {  	s25 =	rddreg [dreg:$0x6]  }
0xc7: {  	[hbm:s25], [sflag:s0] =	dma.local [spmem:s31], $0x2700  }
.Ltmp7:
0xc8: {  	_ = 	snop;
	(pc) =	sbr.rel @p2 .LBB2_8-.Ltmp7, $4  }
.Ltmp8:
0xc9: {  	_ = 	snop;
	(pc) =	sbr.rel @!p2 .LBB2_9-.Ltmp8, $4  }
0xca: {  	_ =	swait.ge [sflag:s23], $0x2700  }
0xcb: {  	[sflag:s23] =	ssyncset.done $0x0  }
0xcc: {  	s25 =	rddreg [dreg:$0x4];
	[sflag:s23] =	ssyncadd.s32 $0xFFFFD900  }
0xcd: {  	_ = 	snop  }
.LBB2_10:
0xce: {  	_ =	sfence.sel $0x180000  }
0xcf: {  	[bflag:$0x0] =	sbarrier.arrive $0xFFFF  }
0xd0: {  	_ =	strace $0x9000004A  }
0xd1: {  	s0 =	stileid.u32;
	[bflag:$0x2] =	sbarrier.arrive $0xFFFF  }
0xd2: {  	p0 =	sne.s32 s0, $0x0;
	s0 =	rddreg [dreg:$0x3]  }
0xd3: {  	s0 =	sadd.s32 @!p0 $0x100000, s0  }
0xd4: {  	[sflag:s0] =	ssyncadd.tile.s32 @!p0 $0x1;
	_ =	shalt  }
.Lfunc_end2:
_tile_overlayer_lowered:
.L_overlay_start_2:
0xd5: {  	(tag) =	ssettag $0x2  }
0xd6: {  	s0 =	rddreg [dreg:$0x0];
	s2 =	stileid.u32  }
0xd7: {  	s1 =	rddreg [dreg:$0x1];
	p0 =	sne.s32 s2, $0x0  }
0xd8: {  	s3 =	rddreg [dreg:$0x2];
	[bflag:$0x3] =	sbarrier.arrive $0xFFFF;
	s2 =	simm.s32 @!p0 $0x1C04  }
0xd9: {  	[timem:s3], [sflag:s2] =	dma.local @!p0 [hbm:s0], s1  }
0xda: {  	s0 =	simm.s32 @!p0 $0x4  }
0xdb: {  	_ =	swait.ge @!p0 [sflag:s0], s1  }
0xdc: {  	s1 =	ssub.s32 @!p0 $0x0, s1;
	[sflag:s0] =	ssyncset.done @!p0 $0x0  }
0xdd: {  	[sflag:s0] =	ssyncadd.s32 @!p0 s1  }
0xde: {  	[bflag:$0x3] =	sbarrier.arrive $0xFFFF  }
0xdf: {  	_ =	shalt  }

</sc_bundles>
